<compile_context>
chip_gen: v7x
topology: tpu7x:2x2x1
jax: 0.10.2.dev20260603
libtpu: 0.0.44.dev20260713+nightly
codegen_flags: <defaults>
</compile_context>

<pallas_src>
import numpy as np
import jax
import jax.numpy as jnp
from jax import lax
from jax.experimental import pallas as pl
from jax.experimental.pallas import tpu as pltpu
from jax.experimental.pallas import tpu_sc as plsc

_B = 16384
_CAT_SLICES = [(1, 10), (12, 29), (30, 33), (33, 40), (40, 64), (64, 79),
               (79, 84), (84, 94), (94, 96), (96, 99), (99, 105), (105, 113),
               (116, 122), (122, 128), (128, 151), (151, 159), (160, 165)]
_CONT_COLS = [0, 10, 11, 29, 113, 114, 115, 159, 165, 166, 167]
_NBINS = 800
_EPS = 1e-10
_NB = 4
_R = _B // _NB

_CHUNK = 5376
_CHUNK2 = 5632
_NV = _CHUNK // 128
_NV2 = _CHUNK2 // 128
_ESTRIDE = 801


def _seg_matrix():
    s = np.zeros((168, len(_CAT_SLICES)), dtype=np.float32)
    for j, (a, b) in enumerate(_CAT_SLICES):
        s[a:b, j] = 1.0
    return s


def _cont_mask():
    m = np.zeros((1, 168), dtype=np.float32)
    m[0, _CONT_COLS] = 1.0
    return m


def _cat_mask():
    m = np.zeros((1, 168), dtype=np.float32)
    for (a, b) in _CAT_SLICES:
        m[0, a:b] = 1.0
    return m


def _minmax_kernel(enc_ref, mm_ref):
    enc = enc_ref[...]
    mm_ref[0:1, 0:10] = jnp.min(enc, axis=0, keepdims=True)
    mm_ref[1:2, 0:10] = jnp.max(enc, axis=0, keepdims=True)


def _hist_kernel(enc_hbm, lab_hbm, edges_hbm, out_hbm,
                 data_v, lab_v, edges_v, hist_v, row_v):
    wid = lax.axis_index("c") * 16 + lax.axis_index("s")
    chunk = wid // 10
    col = wid % 10
    start = jnp.minimum(chunk, 2) * _CHUNK
    n_out = jnp.where(wid >= 30, 0, jnp.where(chunk == 2, _NV2, _NV))

    pltpu.sync_copy(enc_hbm.at[pl.ds(col * _B + start, _CHUNK2)], data_v)
    pltpu.sync_copy(lab_hbm.at[pl.ds(start, _CHUNK2)], lab_v)
    pltpu.sync_copy(edges_hbm, edges_v)

    ebase = jnp.full((16,), col * _ESTRIDE, jnp.int32)
    mn = plsc.load_gather(edges_v, [ebase])
    mx = plsc.load_gather(edges_v, [ebase + _NBINS])
    invw = jnp.float32(_NBINS) / (mx - mn)
    lane = lax.broadcasted_iota(jnp.int32, (16,), 0)
    ones_f = jnp.ones((16,), jnp.float32)

    def _zero(i, _):
        for k in range(16):
            hist_v[pl.ds(i * 256 + k * 16, 16)] = jnp.zeros((16,), jnp.float32)
        return 0
    lax.fori_loop(0, 100, _zero, 0)

    def _bin_rows(o, _):
        for k in range(8):
            i = o * 8 + k
            v = data_v[pl.ds(i * 16, 16)]
            g = lab_v[pl.ds(i * 16, 16)]
            b0 = jnp.clip(((v - mn) * invw).astype(jnp.int32), 0, _NBINS - 1)
            e0 = plsc.load_gather(edges_v, [ebase + b0])
            e1 = plsc.load_gather(edges_v, [ebase + b0 + 1])
            b = b0 + (v >= e1).astype(jnp.int32) - (v < e0).astype(jnp.int32)
            b = jnp.clip(b, 0, _NBINS - 1)
            idx = lane * 1600 + g.astype(jnp.int32) * 800 + b
            plsc.addupdate_scatter(hist_v, [idx], ones_f)
        return 0
    lax.fori_loop(0, n_out, _bin_rows, 0)

    def _reduce(jj, _):
        a0 = hist_v[pl.ds(jj * 32, 16)]
        a1 = hist_v[pl.ds(jj * 32 + 16, 16)]
        for l in range(1, 16):
            a0 = a0 + hist_v[pl.ds(l * 1600 + jj * 32, 16)]
            a1 = a1 + hist_v[pl.ds(l * 1600 + jj * 32 + 16, 16)]
        row_v[pl.ds(jj * 32, 16)] = a0
        row_v[pl.ds(jj * 32 + 16, 16)] = a1
        return 0
    lax.fori_loop(0, 50, _reduce, 0)

    pltpu.sync_copy(row_v, out_hbm.at[wid])


def _stats_kernel(dec_ref, true_ref, lab_ref, seg_ref, cmask_ref,
                  kmask_ref, parts_ref, out_ref, smem_acc):
    j = pl.program_id(0)

    @pl.when(j == 0)
    def _init():
        smem_acc[0] = 0.0
        smem_acc[1] = 0.0
        smem_acc[2] = 0.0

    dec = dec_ref[...]
    true = true_ref[...]
    diff = dec - true
    mse_part = jnp.sum(diff * diff * cmask_ref[...])

    e = jnp.exp(dec)
    sumexp = lax.dot_general(e, seg_ref[...], (((1,), (0,)), ((), ())),
                             preferred_element_type=jnp.float32)
    ce_part = jnp.sum(jnp.log(sumexp)) - jnp.sum(dec * true * kmask_ref[...])

    smem_acc[0] += mse_part
    smem_acc[1] += ce_part
    smem_acc[2] += jnp.sum(lab_ref[...])

    @pl.when(j == _NB - 1)
    def _final():
        n_f = smem_acc[2]
        n_m = jnp.float32(_B) - n_f
        kl = jnp.float32(0.0)
        for c in range(10):
            a = (parts_ref[c:c + 1, :] + parts_ref[c + 10:c + 11, :]
                 + parts_ref[c + 20:c + 21, :])
            pp = a[:, :_NBINS] / n_m
            qq = a[:, _NBINS:] / n_f
            mm = 0.5 * (pp + qq)
            kl += jnp.sum(pp * jnp.log((pp + _EPS) / (mm + _EPS)))
            kl += jnp.sum(qq * jnp.log((qq + _EPS) / (mm + _EPS)))
        kld = 0.5 * kl

        inv_b = jnp.float32(1.0 / _B)
        mse_loss = smem_acc[0] * inv_b
        ce_loss = smem_acc[1] * inv_b
        ajsd = 0.5 * kld
        multi = 0.5 * (mse_loss + ce_loss) + ajsd

        lane = lax.broadcasted_iota(jnp.int32, (1, 128), 1)
        out_ref[...] = jnp.where(lane == 0, multi,
                       jnp.where(lane == 1, mse_loss,
                       jnp.where(lane == 2, ce_loss, ajsd)))


def kernel(data_encoded, data_decoded, data_true, label_true, batch_size):
    seg = jnp.asarray(_seg_matrix())
    cmask = jnp.asarray(_cont_mask())
    kmask = jnp.asarray(_cat_mask())
    lab_flat = label_true[:, 1]
    lab_row = lab_flat.reshape(1, _B)
    enc_t_flat = data_encoded.T.reshape(-1)

    info = pl.pallas_call(
        _minmax_kernel,
        out_shape=jax.ShapeDtypeStruct((2, 128), jnp.float32),
    )(data_encoded)
    edges = [jnp.linspace(info[0, c], info[1, c], _NBINS + 1)
             for c in range(10)]
    etab = jnp.concatenate(edges)

    mesh = plsc.VectorSubcoreMesh(core_axis_name="c", subcore_axis_name="s")
    parts = pl.kernel(
        _hist_kernel,
        mesh=mesh,
        out_type=jax.ShapeDtypeStruct((32, 1600), jnp.float32),
        scratch_types=[
            pltpu.VMEM((_CHUNK2,), jnp.float32),
            pltpu.VMEM((_CHUNK2,), jnp.float32),
            pltpu.VMEM((10 * _ESTRIDE,), jnp.float32),
            pltpu.VMEM((25600,), jnp.float32),
            pltpu.VMEM((1600,), jnp.float32),
        ],
        compiler_params=pltpu.CompilerParams(needs_layout_passes=False),
    )(enc_t_flat, lab_flat, etab)

    out = pl.pallas_call(
        _stats_kernel,
        grid=(_NB,),
        in_specs=[
            pl.BlockSpec((_R, 168), lambda j: (j, 0)),
            pl.BlockSpec((_R, 168), lambda j: (j, 0)),
            pl.BlockSpec((1, _R), lambda j: (0, j)),
            pl.BlockSpec((168, 17), lambda j: (0, 0)),
            pl.BlockSpec((1, 168), lambda j: (0, 0)),
            pl.BlockSpec((1, 168), lambda j: (0, 0)),
            pl.BlockSpec((32, 1600), lambda j: (0, 0)),
        ],
        out_specs=pl.BlockSpec((1, 128), lambda j: (0, 0)),
        out_shape=jax.ShapeDtypeStruct((1, 128), jnp.float32),
        scratch_shapes=[pltpu.SMEM((4,), jnp.float32)],
        compiler_params=pltpu.CompilerParams(
            dimension_semantics=("arbitrary",),
        ),
    )(data_decoded, data_true, lab_row, seg, cmask, kmask, parts)
    return (out[0, 0], out[0, 1], out[0, 2], out[0, 3])

# --- scband reference (transcript-rebuilt; emitter-appended) ---
"""Pipeline reference for scband-multi-loss-jsd-12180527251661 (READ-ONLY COPY).

The authoritative reference and input builder live on the scoring server;
editing this copy changes nothing except your own understanding.
"""

import jax, jax.numpy as jnp
import numpy as np

B = 16384
CAT_SLICES = [(1, 10), (12, 29), (30, 33), (33, 40), (40, 64), (64, 79), (79, 84), (84, 94), (94, 96), (96, 99), (99, 105), (105, 113), (116, 122), (122, 128), (128, 151), (151, 159), (160, 165)]
CONT_COLS = [0, 10, 11, 29, 113, 114, 115, 159, 165, 166, 167]
RATIO_JSD = 0.5


def _mse(a, b):
    return jnp.mean((a - b) ** 2)


def _ce(logits, tgt):
    lse = jax.scipy.special.logsumexp(logits, axis=1)
    picked = jnp.take_along_axis(logits, tgt[:, None], axis=1)[:, 0]
    return jnp.mean(lse - picked)


def _kl_divergence(p, q):
    eps = 1e-10
    m = 0.5 * (p + q)
    kl_pm = jnp.sum(p * jnp.log((p + eps) / (m + eps)))
    kl_qm = jnp.sum(q * jnp.log((q + eps) / (m + eps)))
    return 0.5 * (kl_pm + kl_qm)


def _hist_kld(encoded_combined):
    min_t = jnp.min(encoded_combined, axis=0)
    max_t = jnp.max(encoded_combined, axis=0)
    male_w = (encoded_combined[:, 11] == 0).astype(jnp.float32)
    female_w = (encoded_combined[:, 11] == 1).astype(jnp.float32)
    n_male = jnp.sum(male_w)
    n_female = jnp.sum(female_w)
    male_list, female_list = [], []
    for i in range(10):
        vals = encoded_combined[:, i]
        mn = min_t[i]
        mx = max_t[i]
        mh, _ = jnp.histogram(vals, bins=800, range=(mn, mx), weights=male_w)
        fh, _ = jnp.histogram(vals, bins=800, range=(mn, mx), weights=female_w)
        male_list.append(mh / n_male)
        female_list.append(fh / n_female)
    return _kl_divergence(jnp.stack(male_list), jnp.stack(female_list))


def setup_inputs(seed: int = 0):
    key = jax.random.key(seed)
    k1, k2 = jax.random.split(key, 2)
    data_encoded = jax.random.normal(k1, (B, 10), dtype=jnp.float32)
    data_decoded = jax.random.normal(k2, (B, 168), dtype=jnp.float32)
    rng = np.random.default_rng(0)
    dt = np.zeros((B, 168), dtype=np.float32)
    for (s, e) in CAT_SLICES:
        t = rng.integers(0, e - s, size=B)
        dt[np.arange(B), s + t] = 1.0
    for c in CONT_COLS:
        dt[:, c] = rng.standard_normal(B).astype(np.float32)
    lbl = rng.integers(0, 2, size=B)
    label_true = jnp.asarray(np.eye(2, dtype=np.float32)[lbl])
    return {"data_encoded": data_encoded, "data_decoded": data_decoded, "data_true": jnp.asarray(dt), "label_true": label_true, "batch_size": B}


def reference(data_encoded, data_decoded, data_true, label_true, batch_size):
    mse_Loss = 0.0
    for c in CONT_COLS:
        mse_Loss = mse_Loss + _mse(data_decoded[:, c], data_true[:, c])
    ce_Loss = 0.0
    for (s, e) in CAT_SLICES:
        tgt = jnp.argmax(data_true[:, s:e], axis=1)
        ce_Loss = ce_Loss + _ce(data_decoded[:, s:e], tgt)
    encoded_combined = jnp.concatenate([data_encoded, label_true], axis=1)
    KLD = _hist_kld(encoded_combined)
    alpha = RATIO_JSD
    Multi_loss = (1 - alpha) * (mse_Loss + ce_Loss) + alpha * KLD
    return (Multi_loss, mse_Loss, ce_Loss, alpha * KLD)

if __name__ == "__main__":
    import jax
    _d = setup_inputs()
    print(jax.jit(kernel)(*tuple(_d.values())))

</pallas_src>

<mosaic_0001>
#map = affine_map<(d0, d1) -> (0)>
#map1 = affine_map<(d0, d1) -> (0, 0)>
module attributes {stable_mosaic.version = 14 : i64} {
  func.func @_hist_kernel(%arg0: i32, %arg1: i32, %arg2: memref<163840xf32, #tpu.memory_space<hbm>>, %arg3: memref<16384xf32, #tpu.memory_space<hbm>>, %arg4: memref<8010xf32, #tpu.memory_space<hbm>>, %arg5: memref<32x1600xf32, #tpu.memory_space<hbm>>, %arg6: memref<5632xf32, #tpu.memory_space<vmem>>, %arg7: memref<5632xf32, #tpu.memory_space<vmem>>, %arg8: memref<8010xf32, #tpu.memory_space<vmem>>, %arg9: memref<25600xf32, #tpu.memory_space<vmem>>, %arg10: memref<1600xf32, #tpu.memory_space<vmem>>) attributes {dimension_semantics = [#tpu.dimension_semantics<core_parallel>, #tpu.dimension_semantics<subcore_parallel>], iteration_bounds = array<i64: 2, 16>, scalar_prefetch = 0 : i64, scratch_operands = 5 : i64, tpu.core_type = #tpu.core_type<sc_vector_subcore>, window_params = [{transform_indices = #map}, {transform_indices = #map}, {transform_indices = #map}, {transform_indices = #map1}]} {
    %mul3A = arith.constant 16 : i32
    %mul3A_0 = arith.muli %arg0, %mul3A : i32
    %add3A = arith.addi %mul3A_0, %arg1 : i32
    %jit3A = arith.constant 10 : i32
    %div3A = arith.divsi %add3A, %jit3A : i32
    %sign3A = arith.constant 0 : i32
    %sign3A_1 = arith.cmpi sgt, %add3A, %sign3A : i32
    %sign3A_2 = arith.extui %sign3A_1 : i1 to i32
    %sign3A_3 = arith.constant 0 : i32
    %sign3A_4 = arith.cmpi slt, %add3A, %sign3A_3 : i32
    %sign3A_5 = arith.extui %sign3A_4 : i1 to i32
    %sign3A_6 = arith.subi %sign3A_2, %sign3A_5 : i32
    %sign3A_7 = arith.constant 0 : i32
    %sign3A_8 = arith.cmpi sgt, %jit3A, %sign3A_7 : i32
    %sign3A_9 = arith.extui %sign3A_8 : i1 to i32
    %sign3A_10 = arith.constant 0 : i32
    %sign3A_11 = arith.cmpi slt, %jit3A, %sign3A_10 : i32
    %sign3A_12 = arith.extui %sign3A_11 : i1 to i32
    %sign3A_13 = arith.subi %sign3A_9, %sign3A_12 : i32
    %ne3A = arith.cmpi ne, %sign3A_6, %sign3A_13 : i32
    %rem3A = arith.remsi %add3A, %jit3A : i32
    %ne3A_14 = arith.constant 0 : i32
    %ne3A_15 = arith.cmpi ne, %rem3A, %ne3A_14 : i32
    %and3A = arith.andi %ne3A, %ne3A_15 : i1
    %sub3A = arith.constant 1 : i32
    %sub3A_16 = arith.subi %div3A, %sub3A : i32
    %select_n3A = arith.select %and3A, %sub3A_16, %div3A : i32
    %jit3A_17 = arith.constant 10 : i32
    %eq3A = arith.constant 0 : i32
    %eq3A_18 = arith.cmpi eq, %jit3A_17, %eq3A : i32
    %jit3A_19 = arith.constant 1 : i32
    %select_n3A_20 = arith.select %eq3A_18, %jit3A_19, %jit3A_17 : i32
    %rem3A_21 = arith.remsi %add3A, %select_n3A_20 : i32
    %ne3A_22 = arith.constant 0 : i32
    %ne3A_23 = arith.cmpi ne, %rem3A_21, %ne3A_22 : i32
    %lt3A = arith.constant 0 : i32
    %lt3A_24 = arith.cmpi slt, %rem3A_21, %lt3A : i32
    %lt3A_25 = arith.constant 0 : i32
    %lt3A_26 = arith.cmpi slt, %select_n3A_20, %lt3A_25 : i32
    %ne3A_27 = arith.xori %lt3A_24, %lt3A_26 : i1
    %and3A_28 = arith.andi %ne3A_27, %ne3A_23 : i1
    %add3A_29 = arith.addi %rem3A_21, %select_n3A_20 : i32
    %select_n3A_30 = arith.select %and3A_28, %add3A_29, %rem3A_21 : i32
    %min3A = arith.constant 2 : i32
    %min3A_31 = arith.minsi %select_n3A, %min3A : i32
    %mul3A_32 = arith.constant 5376 : i32
    %mul3A_33 = arith.muli %min3A_31, %mul3A_32 : i32
    %ge3A = arith.constant 30 : i32
    %ge3A_34 = arith.cmpi sge, %add3A, %ge3A : i32
    %eq3A_35 = arith.constant 2 : i32
    %eq3A_36 = arith.cmpi eq, %select_n3A, %eq3A_35 : i32
    %jit3A_37 = arith.constant 44 : i32
    %jit3A_38 = arith.constant 42 : i32
    %select_n3A_39 = arith.select %eq3A_36, %jit3A_37, %jit3A_38 : i32
    %jit3A_40 = arith.constant 0 : i32
    %select_n3A_41 = arith.select %ge3A_34, %jit3A_40, %select_n3A_39 : i32
    %mul3A_42 = arith.constant 16384 : i32
    %mul3A_43 = arith.muli %select_n3A_30, %mul3A_42 : i32
    %add3A_44 = arith.addi %mul3A_43, %mul3A_33 : i32
    "tpu.region"() ({
      %run_scoped3A = tpu.sem_alloc : memref<!tpu.dma_semaphore, #tpu.memory_space<semaphore_mem>>
      %dma_start3A = tpu.memref_slice %arg2[%add3A_44] : memref<163840xf32, #tpu.memory_space<hbm>> -> memref<5632xf32, #tpu.memory_space<hbm>>
      %dma_start3A_81 = tpu.memref_slice %arg2[%add3A_44] : memref<163840xf32, #tpu.memory_space<hbm>> -> memref<5632xf32, #tpu.memory_space<hbm>>
      tpu.enqueue_dma source(%dma_start3A_81 : memref<5632xf32, #tpu.memory_space<hbm>>) target(%arg6 : memref<5632xf32, #tpu.memory_space<vmem>>) target_semaphore(%run_scoped3A : memref<!tpu.dma_semaphore, #tpu.memory_space<semaphore_mem>>)
      %dma_wait3A = tpu.memref_slice %arg2[%add3A_44] : memref<163840xf32, #tpu.memory_space<hbm>> -> memref<5632xf32, #tpu.memory_space<hbm>>
      %dma_wait3A_82 = tpu.memref_slice %arg2[%add3A_44] : memref<163840xf32, #tpu.memory_space<hbm>> -> memref<5632xf32, #tpu.memory_space<hbm>>
      tpu.wait_dma2 semaphore(%run_scoped3A : memref<!tpu.dma_semaphore, #tpu.memory_space<semaphore_mem>>) src(%dma_wait3A_82 : memref<5632xf32, #tpu.memory_space<hbm>>) dst(%arg6 : memref<5632xf32, #tpu.memory_space<vmem>>)
      tpu.yield
    }) : () -> ()
    "tpu.region"() ({
      %run_scoped3A = tpu.sem_alloc : memref<!tpu.dma_semaphore, #tpu.memory_space<semaphore_mem>>
      %dma_start3A = tpu.memref_slice %arg3[%mul3A_33] : memref<16384xf32, #tpu.memory_space<hbm>> -> memref<5632xf32, #tpu.memory_space<hbm>>
      %dma_start3A_81 = tpu.memref_slice %arg3[%mul3A_33] : memref<16384xf32, #tpu.memory_space<hbm>> -> memref<5632xf32, #tpu.memory_space<hbm>>
      tpu.enqueue_dma source(%dma_start3A_81 : memref<5632xf32, #tpu.memory_space<hbm>>) target(%arg7 : memref<5632xf32, #tpu.memory_space<vmem>>) target_semaphore(%run_scoped3A : memref<!tpu.dma_semaphore, #tpu.memory_space<semaphore_mem>>)
      %dma_wait3A = tpu.memref_slice %arg3[%mul3A_33] : memref<16384xf32, #tpu.memory_space<hbm>> -> memref<5632xf32, #tpu.memory_space<hbm>>
      %dma_wait3A_82 = tpu.memref_slice %arg3[%mul3A_33] : memref<16384xf32, #tpu.memory_space<hbm>> -> memref<5632xf32, #tpu.memory_space<hbm>>
      tpu.wait_dma2 semaphore(%run_scoped3A : memref<!tpu.dma_semaphore, #tpu.memory_space<semaphore_mem>>) src(%dma_wait3A_82 : memref<5632xf32, #tpu.memory_space<hbm>>) dst(%arg7 : memref<5632xf32, #tpu.memory_space<vmem>>)
      tpu.yield
    }) : () -> ()
    "tpu.region"() ({
      %run_scoped3A = tpu.sem_alloc : memref<!tpu.dma_semaphore, #tpu.memory_space<semaphore_mem>>
      tpu.enqueue_dma source(%arg4 : memref<8010xf32, #tpu.memory_space<hbm>>) target(%arg8 : memref<8010xf32, #tpu.memory_space<vmem>>) target_semaphore(%run_scoped3A : memref<!tpu.dma_semaphore, #tpu.memory_space<semaphore_mem>>)
      tpu.wait_dma2 semaphore(%run_scoped3A : memref<!tpu.dma_semaphore, #tpu.memory_space<semaphore_mem>>) src(%arg4 : memref<8010xf32, #tpu.memory_space<hbm>>) dst(%arg8 : memref<8010xf32, #tpu.memory_space<vmem>>)
      tpu.yield
    }) : () -> ()
    %mul3A_45 = arith.constant 801 : i32
    %mul3A_46 = arith.muli %select_n3A_30, %mul3A_45 : i32
    %broadcast_in_dim3A = vector.broadcast %mul3A_46 : i32 to vector<16xi32>
    %gather3A = tpu.vector_load_idx %arg8[%broadcast_in_dim3A] : memref<8010xf32, #tpu.memory_space<vmem>>[vector<16xi32>], vector<16xf32>,
    %add3A_47 = arith.constant 800 : i32
    %add3A_48 = vector.broadcast %add3A_47 : i32 to vector<16xi32>
    %add3A_49 = arith.addi %broadcast_in_dim3A, %add3A_48 : vector<16xi32>
    %gather3A_50 = tpu.vector_load_idx %arg8[%add3A_49] : memref<8010xf32, #tpu.memory_space<vmem>>[vector<16xi32>], vector<16xf32>,
    %sub3A_51 = arith.subf %gather3A_50, %gather3A : vector<16xf32>
    %div3A_52 = arith.constant 8.000000e+02 : f32
    %div3A_53 = vector.broadcast %div3A_52 : f32 to vector<16xf32>
    %div3A_54 = arith.divf %div3A_53, %sub3A_51 : vector<16xf32>
    %iota3A = tpu.iota {dimensions = array<i32: 0>} : vector<16xi32>
    %broadcast_in_dim3A_55 = arith.constant 1.000000e+00 : f32
    %broadcast_in_dim3A_56 = vector.broadcast %broadcast_in_dim3A_55 : f32 to vector<16xf32>
    %scan3A = arith.constant 0 : i32
    %scan3A_57 = arith.constant 0 : i32
    %scan3A_58 = arith.constant 100 : i32
    %scan3A_59 = arith.addi %scan3A_57, %scan3A_58 : i32
    %scan3A_60 = arith.constant 1 : i32
    %scan3A_61 = scf.for %scan3A_81 = %scan3A_57 to %scan3A_59 step %scan3A_60 iter_args(%scan3A_82 = %scan3A) -> (i32)  : i32 {
      %broadcast_in_dim3A_83 = arith.constant 0.000000e+00 : f32
      %broadcast_in_dim3A_84 = vector.broadcast %broadcast_in_dim3A_83 : f32 to vector<16xf32>
      %mul3A_85 = arith.constant 256 : i32
      %mul3A_86 = arith.muli %scan3A_81, %mul3A_85 : i32
      %add3A_87 = arith.constant 0 : i32
      %add3A_88 = arith.addi %mul3A_86, %add3A_87 : i32
      %swap3A = arith.index_cast %add3A_88 : i32 to index
      %swap3A_89 = tpu.vector_load %arg9[%swap3A] {strides = array<i32>} : memref<25600xf32, #tpu.memory_space<vmem>>, vector<16xf32>,
      tpu.vector_store %arg9[%swap3A], %broadcast_in_dim3A_84 {strides = array<i32>} : memref<25600xf32, #tpu.memory_space<vmem>>, vector<16xf32>,
      %broadcast_in_dim3A_90 = arith.constant 0.000000e+00 : f32
      %broadcast_in_dim3A_91 = vector.broadcast %broadcast_in_dim3A_90 : f32 to vector<16xf32>
      %mul3A_92 = arith.constant 256 : i32
      %mul3A_93 = arith.muli %scan3A_81, %mul3A_92 : i32
      %add3A_94 = arith.constant 16 : i32
      %add3A_95 = arith.addi %mul3A_93, %add3A_94 : i32
      %swap3A_96 = arith.index_cast %add3A_95 : i32 to index
      %swap3A_97 = tpu.vector_load %arg9[%swap3A_96] {strides = array<i32>} : memref<25600xf32, #tpu.memory_space<vmem>>, vector<16xf32>,
      tpu.vector_store %arg9[%swap3A_96], %broadcast_in_dim3A_91 {strides = array<i32>} : memref<25600xf32, #tpu.memory_space<vmem>>, vector<16xf32>,
      %broadcast_in_dim3A_98 = arith.constant 0.000000e+00 : f32
      %broadcast_in_dim3A_99 = vector.broadcast %broadcast_in_dim3A_98 : f32 to vector<16xf32>
      %mul3A_100 = arith.constant 256 : i32
      %mul3A_101 = arith.muli %scan3A_81, %mul3A_100 : i32
      %add3A_102 = arith.constant 32 : i32
      %add3A_103 = arith.addi %mul3A_101, %add3A_102 : i32
      %swap3A_104 = arith.index_cast %add3A_103 : i32 to index
      %swap3A_105 = tpu.vector_load %arg9[%swap3A_104] {strides = array<i32>} : memref<25600xf32, #tpu.memory_space<vmem>>, vector<16xf32>,
      tpu.vector_store %arg9[%swap3A_104], %broadcast_in_dim3A_99 {strides = array<i32>} : memref<25600xf32, #tpu.memory_space<vmem>>, vector<16xf32>,
      %broadcast_in_dim3A_106 = arith.constant 0.000000e+00 : f32
      %broadcast_in_dim3A_107 = vector.broadcast %broadcast_in_dim3A_106 : f32 to vector<16xf32>
      %mul3A_108 = arith.constant 256 : i32
      %mul3A_109 = arith.muli %scan3A_81, %mul3A_108 : i32
      %add3A_110 = arith.constant 48 : i32
      %add3A_111 = arith.addi %mul3A_109, %add3A_110 : i32
      %swap3A_112 = arith.index_cast %add3A_111 : i32 to index
      %swap3A_113 = tpu.vector_load %arg9[%swap3A_112] {strides = array<i32>} : memref<25600xf32, #tpu.memory_space<vmem>>, vector<16xf32>,
      tpu.vector_store %arg9[%swap3A_112], %broadcast_in_dim3A_107 {strides = array<i32>} : memref<25600xf32, #tpu.memory_space<vmem>>, vector<16xf32>,
      %broadcast_in_dim3A_114 = arith.constant 0.000000e+00 : f32
      %broadcast_in_dim3A_115 = vector.broadcast %broadcast_in_dim3A_114 : f32 to vector<16xf32>
      %mul3A_116 = arith.constant 256 : i32
      %mul3A_117 = arith.muli %scan3A_81, %mul3A_116 : i32
      %add3A_118 = arith.constant 64 : i32
      %add3A_119 = arith.addi %mul3A_117, %add3A_118 : i32
      %swap3A_120 = arith.index_cast %add3A_119 : i32 to index
      %swap3A_121 = tpu.vector_load %arg9[%swap3A_120] {strides = array<i32>} : memref<25600xf32, #tpu.memory_space<vmem>>, vector<16xf32>,
      tpu.vector_store %arg9[%swap3A_120], %broadcast_in_dim3A_115 {strides = array<i32>} : memref<25600xf32, #tpu.memory_space<vmem>>, vector<16xf32>,
      %broadcast_in_dim3A_122 = arith.constant 0.000000e+00 : f32
      %broadcast_in_dim3A_123 = vector.broadcast %broadcast_in_dim3A_122 : f32 to vector<16xf32>
      %mul3A_124 = arith.constant 256 : i32
      %mul3A_125 = arith.muli %scan3A_81, %mul3A_124 : i32
      %add3A_126 = arith.constant 80 : i32
      %add3A_127 = arith.addi %mul3A_125, %add3A_126 : i32
      %swap3A_128 = arith.index_cast %add3A_127 : i32 to index
      %swap3A_129 = tpu.vector_load %arg9[%swap3A_128] {strides = array<i32>} : memref<25600xf32, #tpu.memory_space<vmem>>, vector<16xf32>,
      tpu.vector_store %arg9[%swap3A_128], %broadcast_in_dim3A_123 {strides = array<i32>} : memref<25600xf32, #tpu.memory_space<vmem>>, vector<16xf32>,
      %broadcast_in_dim3A_130 = arith.constant 0.000000e+00 : f32
      %broadcast_in_dim3A_131 = vector.broadcast %broadcast_in_dim3A_130 : f32 to vector<16xf32>
      %mul3A_132 = arith.constant 256 : i32
      %mul3A_133 = arith.muli %scan3A_81, %mul3A_132 : i32
      %add3A_134 = arith.constant 96 : i32
      %add3A_135 = arith.addi %mul3A_133, %add3A_134 : i32
      %swap3A_136 = arith.index_cast %add3A_135 : i32 to index
      %swap3A_137 = tpu.vector_load %arg9[%swap3A_136] {strides = array<i32>} : memref<25600xf32, #tpu.memory_space<vmem>>, vector<16xf32>,
      tpu.vector_store %arg9[%swap3A_136], %broadcast_in_dim3A_131 {strides = array<i32>} : memref<25600xf32, #tpu.memory_space<vmem>>, vector<16xf32>,
      %broadcast_in_dim3A_138 = arith.constant 0.000000e+00 : f32
      %broadcast_in_dim3A_139 = vector.broadcast %broadcast_in_dim3A_138 : f32 to vector<16xf32>
      %mul3A_140 = arith.constant 256 : i32
      %mul3A_141 = arith.muli %scan3A_81, %mul3A_140 : i32
      %add3A_142 = arith.constant 112 : i32
      %add3A_143 = arith.addi %mul3A_141, %add3A_142 : i32
      %swap3A_144 = arith.index_cast %add3A_143 : i32 to index
      %swap3A_145 = tpu.vector_load %arg9[%swap3A_144] {strides = array<i32>} : memref<25600xf32, #tpu.memory_space<vmem>>, vector<16xf32>,
      tpu.vector_store %arg9[%swap3A_144], %broadcast_in_dim3A_139 {strides = array<i32>} : memref<25600xf32, #tpu.memory_space<vmem>>, vector<16xf32>,
      %broadcast_in_dim3A_146 = arith.constant 0.000000e+00 : f32
      %broadcast_in_dim3A_147 = vector.broadcast %broadcast_in_dim3A_146 : f32 to vector<16xf32>
      %mul3A_148 = arith.constant 256 : i32
      %mul3A_149 = arith.muli %scan3A_81, %mul3A_148 : i32
      %add3A_150 = arith.constant 128 : i32
      %add3A_151 = arith.addi %mul3A_149, %add3A_150 : i32
      %swap3A_152 = arith.index_cast %add3A_151 : i32 to index
      %swap3A_153 = tpu.vector_load %arg9[%swap3A_152] {strides = array<i32>} : memref<25600xf32, #tpu.memory_space<vmem>>, vector<16xf32>,
      tpu.vector_store %arg9[%swap3A_152], %broadcast_in_dim3A_147 {strides = array<i32>} : memref<25600xf32, #tpu.memory_space<vmem>>, vector<16xf32>,
      %broadcast_in_dim3A_154 = arith.constant 0.000000e+00 : f32
      %broadcast_in_dim3A_155 = vector.broadcast %broadcast_in_dim3A_154 : f32 to vector<16xf32>
      %mul3A_156 = arith.constant 256 : i32
      %mul3A_157 = arith.muli %scan3A_81, %mul3A_156 : i32
      %add3A_158 = arith.constant 144 : i32
      %add3A_159 = arith.addi %mul3A_157, %add3A_158 : i32
      %swap3A_160 = arith.index_cast %add3A_159 : i32 to index
      %swap3A_161 = tpu.vector_load %arg9[%swap3A_160] {strides = array<i32>} : memref<25600xf32, #tpu.memory_space<vmem>>, vector<16xf32>,
      tpu.vector_store %arg9[%swap3A_160], %broadcast_in_dim3A_155 {strides = array<i32>} : memref<25600xf32, #tpu.memory_space<vmem>>, vector<16xf32>,
      %broadcast_in_dim3A_162 = arith.constant 0.000000e+00 : f32
      %broadcast_in_dim3A_163 = vector.broadcast %broadcast_in_dim3A_162 : f32 to vector<16xf32>
      %mul3A_164 = arith.constant 256 : i32
      %mul3A_165 = arith.muli %scan3A_81, %mul3A_164 : i32
      %add3A_166 = arith.constant 160 : i32
      %add3A_167 = arith.addi %mul3A_165, %add3A_166 : i32
      %swap3A_168 = arith.index_cast %add3A_167 : i32 to index
      %swap3A_169 = tpu.vector_load %arg9[%swap3A_168] {strides = array<i32>} : memref<25600xf32, #tpu.memory_space<vmem>>, vector<16xf32>,
      tpu.vector_store %arg9[%swap3A_168], %broadcast_in_dim3A_163 {strides = array<i32>} : memref<25600xf32, #tpu.memory_space<vmem>>, vector<16xf32>,
      %broadcast_in_dim3A_170 = arith.constant 0.000000e+00 : f32
      %broadcast_in_dim3A_171 = vector.broadcast %broadcast_in_dim3A_170 : f32 to vector<16xf32>
      %mul3A_172 = arith.constant 256 : i32
      %mul3A_173 = arith.muli %scan3A_81, %mul3A_172 : i32
      %add3A_174 = arith.constant 176 : i32
      %add3A_175 = arith.addi %mul3A_173, %add3A_174 : i32
      %swap3A_176 = arith.index_cast %add3A_175 : i32 to index
      %swap3A_177 = tpu.vector_load %arg9[%swap3A_176] {strides = array<i32>} : memref<25600xf32, #tpu.memory_space<vmem>>, vector<16xf32>,
      tpu.vector_store %arg9[%swap3A_176], %broadcast_in_dim3A_171 {strides = array<i32>} : memref<25600xf32, #tpu.memory_space<vmem>>, vector<16xf32>,
      %broadcast_in_dim3A_178 = arith.constant 0.000000e+00 : f32
      %broadcast_in_dim3A_179 = vector.broadcast %broadcast_in_dim3A_178 : f32 to vector<16xf32>
      %mul3A_180 = arith.constant 256 : i32
      %mul3A_181 = arith.muli %scan3A_81, %mul3A_180 : i32
      %add3A_182 = arith.constant 192 : i32
      %add3A_183 = arith.addi %mul3A_181, %add3A_182 : i32
      %swap3A_184 = arith.index_cast %add3A_183 : i32 to index
      %swap3A_185 = tpu.vector_load %arg9[%swap3A_184] {strides = array<i32>} : memref<25600xf32, #tpu.memory_space<vmem>>, vector<16xf32>,
      tpu.vector_store %arg9[%swap3A_184], %broadcast_in_dim3A_179 {strides = array<i32>} : memref<25600xf32, #tpu.memory_space<vmem>>, vector<16xf32>,
      %broadcast_in_dim3A_186 = arith.constant 0.000000e+00 : f32
      %broadcast_in_dim3A_187 = vector.broadcast %broadcast_in_dim3A_186 : f32 to vector<16xf32>
      %mul3A_188 = arith.constant 256 : i32
      %mul3A_189 = arith.muli %scan3A_81, %mul3A_188 : i32
      %add3A_190 = arith.constant 208 : i32
      %add3A_191 = arith.addi %mul3A_189, %add3A_190 : i32
      %swap3A_192 = arith.index_cast %add3A_191 : i32 to index
      %swap3A_193 = tpu.vector_load %arg9[%swap3A_192] {strides = array<i32>} : memref<25600xf32, #tpu.memory_space<vmem>>, vector<16xf32>,
      tpu.vector_store %arg9[%swap3A_192], %broadcast_in_dim3A_187 {strides = array<i32>} : memref<25600xf32, #tpu.memory_space<vmem>>, vector<16xf32>,
      %broadcast_in_dim3A_194 = arith.constant 0.000000e+00 : f32
      %broadcast_in_dim3A_195 = vector.broadcast %broadcast_in_dim3A_194 : f32 to vector<16xf32>
      %mul3A_196 = arith.constant 256 : i32
      %mul3A_197 = arith.muli %scan3A_81, %mul3A_196 : i32
      %add3A_198 = arith.constant 224 : i32
      %add3A_199 = arith.addi %mul3A_197, %add3A_198 : i32
      %swap3A_200 = arith.index_cast %add3A_199 : i32 to index
      %swap3A_201 = tpu.vector_load %arg9[%swap3A_200] {strides = array<i32>} : memref<25600xf32, #tpu.memory_space<vmem>>, vector<16xf32>,
      tpu.vector_store %arg9[%swap3A_200], %broadcast_in_dim3A_195 {strides = array<i32>} : memref<25600xf32, #tpu.memory_space<vmem>>, vector<16xf32>,
      %broadcast_in_dim3A_202 = arith.constant 0.000000e+00 : f32
      %broadcast_in_dim3A_203 = vector.broadcast %broadcast_in_dim3A_202 : f32 to vector<16xf32>
      %mul3A_204 = arith.constant 256 : i32
      %mul3A_205 = arith.muli %scan3A_81, %mul3A_204 : i32
      %add3A_206 = arith.constant 240 : i32
      %add3A_207 = arith.addi %mul3A_205, %add3A_206 : i32
      %swap3A_208 = arith.index_cast %add3A_207 : i32 to index
      %swap3A_209 = tpu.vector_load %arg9[%swap3A_208] {strides = array<i32>} : memref<25600xf32, #tpu.memory_space<vmem>>, vector<16xf32>,
      tpu.vector_store %arg9[%swap3A_208], %broadcast_in_dim3A_203 {strides = array<i32>} : memref<25600xf32, #tpu.memory_space<vmem>>, vector<16xf32>,
      %scan3A_210 = arith.constant 0 : i32
      scf.yield %scan3A_210 : i32
    }
    %scan3A_62 = arith.constant 100 : i32
    %while3A = arith.constant 0 : i32
    %while3A_63 = arith.constant 0 : i32
    %while3A_64 = arith.subi %select_n3A_41, %while3A : i32
    %while3A_65 = arith.addi %while3A, %while3A_64 : i32
    %while3A_66 = arith.constant 1 : i32
    %while3A_67 = arith.divsi %while3A_64, %while3A_66 : i32
    %while3A_68 = arith.muli %while3A_67, %while3A_66 : i32
    %while3A_69 = arith.addi %while3A, %while3A_68 : i32
    %while3A_70 = arith.constant 1 : i32
    %while3A_71 = scf.for %while3A_81 = %while3A to %while3A_69 step %while3A_70 iter_args(%while3A_82 = %while3A_63) -> (i32)  : i32 {
      %mul3A_83 = arith.constant 8 : i32
      %mul3A_84 = arith.muli %while3A_81, %mul3A_83 : i32
      %add3A_85 = arith.constant 0 : i32
      %add3A_86 = arith.addi %mul3A_84, %add3A_85 : i32
      %mul3A_87 = arith.constant 16 : i32
      %mul3A_88 = arith.muli %add3A_86, %mul3A_87 : i32
      %get3A = arith.index_cast %mul3A_88 : i32 to index
      %get3A_89 = tpu.vector_load %arg6[%get3A] {strides = array<i32>} : memref<5632xf32, #tpu.memory_space<vmem>>, vector<16xf32>,
      %mul3A_90 = arith.constant 16 : i32
      %mul3A_91 = arith.muli %add3A_86, %mul3A_90 : i32
      %get3A_92 = arith.index_cast %mul3A_91 : i32 to index
      %get3A_93 = tpu.vector_load %arg7[%get3A_92] {strides = array<i32>} : memref<5632xf32, #tpu.memory_space<vmem>>, vector<16xf32>,
      %sub3A_94 = arith.subf %get3A_89, %gather3A : vector<16xf32>
      %mul3A_95 = arith.mulf %sub3A_94, %div3A_54 : vector<16xf32>
      %convert_element_type3A = arith.fptosi %mul3A_95 : vector<16xf32> to vector<16xi32>
      %jit3A_96 = arith.constant 0 : i32
      %jit3A_97 = arith.constant 799 : i32
      %max3A = vector.broadcast %jit3A_96 : i32 to vector<16xi32>
      %max3A_98 = arith.maxsi %max3A, %convert_element_type3A : vector<16xi32>
      %min3A_99 = vector.broadcast %jit3A_97 : i32 to vector<16xi32>
      %min3A_100 = arith.minsi %min3A_99, %max3A_98 : vector<16xi32>
      %add3A_101 = arith.addi %broadcast_in_dim3A, %min3A_100 : vector<16xi32>
      %gather3A_102 = tpu.vector_load_idx %arg8[%add3A_101] : memref<8010xf32, #tpu.memory_space<vmem>>[vector<16xi32>], vector<16xf32>,
      %add3A_103 = arith.addi %broadcast_in_dim3A, %min3A_100 : vector<16xi32>
      %add3A_104 = arith.constant 1 : i32
      %add3A_105 = vector.broadcast %add3A_104 : i32 to vector<16xi32>
      %add3A_106 = arith.addi %add3A_103, %add3A_105 : vector<16xi32>
      %gather3A_107 = tpu.vector_load_idx %arg8[%add3A_106] : memref<8010xf32, #tpu.memory_space<vmem>>[vector<16xi32>], vector<16xf32>,
      %ge3A_108 = arith.cmpf oge, %get3A_89, %gather3A_107 : vector<16xf32>
      %convert_element_type3A_109 = arith.extui %ge3A_108 : vector<16xi1> to vector<16xi32>
      %add3A_110 = arith.addi %min3A_100, %convert_element_type3A_109 : vector<16xi32>
      %lt3A_111 = arith.cmpf olt, %get3A_89, %gather3A_102 : vector<16xf32>
      %convert_element_type3A_112 = arith.extui %lt3A_111 : vector<16xi1> to vector<16xi32>
      %sub3A_113 = arith.subi %add3A_110, %convert_element_type3A_112 : vector<16xi32>
      %jit3A_114 = arith.constant 0 : i32
      %jit3A_115 = arith.constant 799 : i32
      %max3A_116 = vector.broadcast %jit3A_114 : i32 to vector<16xi32>
      %max3A_117 = arith.maxsi %max3A_116, %sub3A_113 : vector<16xi32>
      %min3A_118 = vector.broadcast %jit3A_115 : i32 to vector<16xi32>
      %min3A_119 = arith.minsi %min3A_118, %max3A_117 : vector<16xi32>
      %mul3A_120 = arith.constant 1600 : i32
      %mul3A_121 = vector.broadcast %mul3A_120 : i32 to vector<16xi32>
      %mul3A_122 = arith.muli %iota3A, %mul3A_121 : vector<16xi32>
      %convert_element_type3A_123 = arith.fptosi %get3A_93 : vector<16xf32> to vector<16xi32>
      %mul3A_124 = arith.constant 800 : i32
      %mul3A_125 = vector.broadcast %mul3A_124 : i32 to vector<16xi32>
      %mul3A_126 = arith.muli %convert_element_type3A_123, %mul3A_125 : vector<16xi32>
      %add3A_127 = arith.addi %mul3A_122, %mul3A_126 : vector<16xi32>
      %add3A_128 = arith.addi %add3A_127, %min3A_119 : vector<16xi32>
      tpu.vector_store_idx %arg9[%add3A_128], %broadcast_in_dim3A_56 {add = true} : memref<25600xf32, #tpu.memory_space<vmem>>[vector<16xi32>], vector<16xf32>,
      %mul3A_129 = arith.constant 8 : i32
      %mul3A_130 = arith.muli %while3A_81, %mul3A_129 : i32
      %add3A_131 = arith.constant 1 : i32
      %add3A_132 = arith.addi %mul3A_130, %add3A_131 : i32
      %mul3A_133 = arith.constant 16 : i32
      %mul3A_134 = arith.muli %add3A_132, %mul3A_133 : i32
      %get3A_135 = arith.index_cast %mul3A_134 : i32 to index
      %get3A_136 = tpu.vector_load %arg6[%get3A_135] {strides = array<i32>} : memref<5632xf32, #tpu.memory_space<vmem>>, vector<16xf32>,
      %mul3A_137 = arith.constant 16 : i32
      %mul3A_138 = arith.muli %add3A_132, %mul3A_137 : i32
      %get3A_139 = arith.index_cast %mul3A_138 : i32 to index
      %get3A_140 = tpu.vector_load %arg7[%get3A_139] {strides = array<i32>} : memref<5632xf32, #tpu.memory_space<vmem>>, vector<16xf32>,
      %sub3A_141 = arith.subf %get3A_136, %gather3A : vector<16xf32>
      %mul3A_142 = arith.mulf %sub3A_141, %div3A_54 : vector<16xf32>
      %convert_element_type3A_143 = arith.fptosi %mul3A_142 : vector<16xf32> to vector<16xi32>
      %jit3A_144 = arith.constant 0 : i32
      %jit3A_145 = arith.constant 799 : i32
      %max3A_146 = vector.broadcast %jit3A_144 : i32 to vector<16xi32>
      %max3A_147 = arith.maxsi %max3A_146, %convert_element_type3A_143 : vector<16xi32>
      %min3A_148 = vector.broadcast %jit3A_145 : i32 to vector<16xi32>
      %min3A_149 = arith.minsi %min3A_148, %max3A_147 : vector<16xi32>
      %add3A_150 = arith.addi %broadcast_in_dim3A, %min3A_149 : vector<16xi32>
      %gather3A_151 = tpu.vector_load_idx %arg8[%add3A_150] : memref<8010xf32, #tpu.memory_space<vmem>>[vector<16xi32>], vector<16xf32>,
      %add3A_152 = arith.addi %broadcast_in_dim3A, %min3A_149 : vector<16xi32>
      %add3A_153 = arith.constant 1 : i32
      %add3A_154 = vector.broadcast %add3A_153 : i32 to vector<16xi32>
      %add3A_155 = arith.addi %add3A_152, %add3A_154 : vector<16xi32>
      %gather3A_156 = tpu.vector_load_idx %arg8[%add3A_155] : memref<8010xf32, #tpu.memory_space<vmem>>[vector<16xi32>], vector<16xf32>,
      %ge3A_157 = arith.cmpf oge, %get3A_136, %gather3A_156 : vector<16xf32>
      %convert_element_type3A_158 = arith.extui %ge3A_157 : vector<16xi1> to vector<16xi32>
      %add3A_159 = arith.addi %min3A_149, %convert_element_type3A_158 : vector<16xi32>
      %lt3A_160 = arith.cmpf olt, %get3A_136, %gather3A_151 : vector<16xf32>
      %convert_element_type3A_161 = arith.extui %lt3A_160 : vector<16xi1> to vector<16xi32>
      %sub3A_162 = arith.subi %add3A_159, %convert_element_type3A_161 : vector<16xi32>
      %jit3A_163 = arith.constant 0 : i32
      %jit3A_164 = arith.constant 799 : i32
      %max3A_165 = vector.broadcast %jit3A_163 : i32 to vector<16xi32>
      %max3A_166 = arith.maxsi %max3A_165, %sub3A_162 : vector<16xi32>
      %min3A_167 = vector.broadcast %jit3A_164 : i32 to vector<16xi32>
      %min3A_168 = arith.minsi %min3A_167, %max3A_166 : vector<16xi32>
      %mul3A_169 = arith.constant 1600 : i32
      %mul3A_170 = vector.broadcast %mul3A_169 : i32 to vector<16xi32>
      %mul3A_171 = arith.muli %iota3A, %mul3A_170 : vector<16xi32>
      %convert_element_type3A_172 = arith.fptosi %get3A_140 : vector<16xf32> to vector<16xi32>
      %mul3A_173 = arith.constant 800 : i32
      %mul3A_174 = vector.broadcast %mul3A_173 : i32 to vector<16xi32>
      %mul3A_175 = arith.muli %convert_element_type3A_172, %mul3A_174 : vector<16xi32>
      %add3A_176 = arith.addi %mul3A_171, %mul3A_175 : vector<16xi32>
      %add3A_177 = arith.addi %add3A_176, %min3A_168 : vector<16xi32>
      tpu.vector_store_idx %arg9[%add3A_177], %broadcast_in_dim3A_56 {add = true} : memref<25600xf32, #tpu.memory_space<vmem>>[vector<16xi32>], vector<16xf32>,
      %mul3A_178 = arith.constant 8 : i32
      %mul3A_179 = arith.muli %while3A_81, %mul3A_178 : i32
      %add3A_180 = arith.constant 2 : i32
      %add3A_181 = arith.addi %mul3A_179, %add3A_180 : i32
      %mul3A_182 = arith.constant 16 : i32
      %mul3A_183 = arith.muli %add3A_181, %mul3A_182 : i32
      %get3A_184 = arith.index_cast %mul3A_183 : i32 to index
      %get3A_185 = tpu.vector_load %arg6[%get3A_184] {strides = array<i32>} : memref<5632xf32, #tpu.memory_space<vmem>>, vector<16xf32>,
      %mul3A_186 = arith.constant 16 : i32
      %mul3A_187 = arith.muli %add3A_181, %mul3A_186 : i32
      %get3A_188 = arith.index_cast %mul3A_187 : i32 to index
      %get3A_189 = tpu.vector_load %arg7[%get3A_188] {strides = array<i32>} : memref<5632xf32, #tpu.memory_space<vmem>>, vector<16xf32>,
      %sub3A_190 = arith.subf %get3A_185, %gather3A : vector<16xf32>
      %mul3A_191 = arith.mulf %sub3A_190, %div3A_54 : vector<16xf32>
      %convert_element_type3A_192 = arith.fptosi %mul3A_191 : vector<16xf32> to vector<16xi32>
      %jit3A_193 = arith.constant 0 : i32
      %jit3A_194 = arith.constant 799 : i32
      %max3A_195 = vector.broadcast %jit3A_193 : i32 to vector<16xi32>
      %max3A_196 = arith.maxsi %max3A_195, %convert_element_type3A_192 : vector<16xi32>
      %min3A_197 = vector.broadcast %jit3A_194 : i32 to vector<16xi32>
      %min3A_198 = arith.minsi %min3A_197, %max3A_196 : vector<16xi32>
      %add3A_199 = arith.addi %broadcast_in_dim3A, %min3A_198 : vector<16xi32>
      %gather3A_200 = tpu.vector_load_idx %arg8[%add3A_199] : memref<8010xf32, #tpu.memory_space<vmem>>[vector<16xi32>], vector<16xf32>,
      %add3A_201 = arith.addi %broadcast_in_dim3A, %min3A_198 : vector<16xi32>
      %add3A_202 = arith.constant 1 : i32
      %add3A_203 = vector.broadcast %add3A_202 : i32 to vector<16xi32>
      %add3A_204 = arith.addi %add3A_201, %add3A_203 : vector<16xi32>
      %gather3A_205 = tpu.vector_load_idx %arg8[%add3A_204] : memref<8010xf32, #tpu.memory_space<vmem>>[vector<16xi32>], vector<16xf32>,
      %ge3A_206 = arith.cmpf oge, %get3A_185, %gather3A_205 : vector<16xf32>
      %convert_element_type3A_207 = arith.extui %ge3A_206 : vector<16xi1> to vector<16xi32>
      %add3A_208 = arith.addi %min3A_198, %convert_element_type3A_207 : vector<16xi32>
      %lt3A_209 = arith.cmpf olt, %get3A_185, %gather3A_200 : vector<16xf32>
      %convert_element_type3A_210 = arith.extui %lt3A_209 : vector<16xi1> to vector<16xi32>
      %sub3A_211 = arith.subi %add3A_208, %convert_element_type3A_210 : vector<16xi32>
      %jit3A_212 = arith.constant 0 : i32
      %jit3A_213 = arith.constant 799 : i32
      %max3A_214 = vector.broadcast %jit3A_212 : i32 to vector<16xi32>
      %max3A_215 = arith.maxsi %max3A_214, %sub3A_211 : vector<16xi32>
      %min3A_216 = vector.broadcast %jit3A_213 : i32 to vector<16xi32>
      %min3A_217 = arith.minsi %min3A_216, %max3A_215 : vector<16xi32>
      %mul3A_218 = arith.constant 1600 : i32
      %mul3A_219 = vector.broadcast %mul3A_218 : i32 to vector<16xi32>
      %mul3A_220 = arith.muli %iota3A, %mul3A_219 : vector<16xi32>
      %convert_element_type3A_221 = arith.fptosi %get3A_189 : vector<16xf32> to vector<16xi32>
      %mul3A_222 = arith.constant 800 : i32
      %mul3A_223 = vector.broadcast %mul3A_222 : i32 to vector<16xi32>
      %mul3A_224 = arith.muli %convert_element_type3A_221, %mul3A_223 : vector<16xi32>
      %add3A_225 = arith.addi %mul3A_220, %mul3A_224 : vector<16xi32>
      %add3A_226 = arith.addi %add3A_225, %min3A_217 : vector<16xi32>
      tpu.vector_store_idx %arg9[%add3A_226], %broadcast_in_dim3A_56 {add = true} : memref<25600xf32, #tpu.memory_space<vmem>>[vector<16xi32>], vector<16xf32>,
      %mul3A_227 = arith.constant 8 : i32
      %mul3A_228 = arith.muli %while3A_81, %mul3A_227 : i32
      %add3A_229 = arith.constant 3 : i32
      %add3A_230 = arith.addi %mul3A_228, %add3A_229 : i32
      %mul3A_231 = arith.constant 16 : i32
      %mul3A_232 = arith.muli %add3A_230, %mul3A_231 : i32
      %get3A_233 = arith.index_cast %mul3A_232 : i32 to index
      %get3A_234 = tpu.vector_load %arg6[%get3A_233] {strides = array<i32>} : memref<5632xf32, #tpu.memory_space<vmem>>, vector<16xf32>,
      %mul3A_235 = arith.constant 16 : i32
      %mul3A_236 = arith.muli %add3A_230, %mul3A_235 : i32
      %get3A_237 = arith.index_cast %mul3A_236 : i32 to index
      %get3A_238 = tpu.vector_load %arg7[%get3A_237] {strides = array<i32>} : memref<5632xf32, #tpu.memory_space<vmem>>, vector<16xf32>,
      %sub3A_239 = arith.subf %get3A_234, %gather3A : vector<16xf32>
      %mul3A_240 = arith.mulf %sub3A_239, %div3A_54 : vector<16xf32>
      %convert_element_type3A_241 = arith.fptosi %mul3A_240 : vector<16xf32> to vector<16xi32>
      %jit3A_242 = arith.constant 0 : i32
      %jit3A_243 = arith.constant 799 : i32
      %max3A_244 = vector.broadcast %jit3A_242 : i32 to vector<16xi32>
      %max3A_245 = arith.maxsi %max3A_244, %convert_element_type3A_241 : vector<16xi32>
      %min3A_246 = vector.broadcast %jit3A_243 : i32 to vector<16xi32>
      %min3A_247 = arith.minsi %min3A_246, %max3A_245 : vector<16xi32>
      %add3A_248 = arith.addi %broadcast_in_dim3A, %min3A_247 : vector<16xi32>
      %gather3A_249 = tpu.vector_load_idx %arg8[%add3A_248] : memref<8010xf32, #tpu.memory_space<vmem>>[vector<16xi32>], vector<16xf32>,
      %add3A_250 = arith.addi %broadcast_in_dim3A, %min3A_247 : vector<16xi32>
      %add3A_251 = arith.constant 1 : i32
      %add3A_252 = vector.broadcast %add3A_251 : i32 to vector<16xi32>
      %add3A_253 = arith.addi %add3A_250, %add3A_252 : vector<16xi32>
      %gather3A_254 = tpu.vector_load_idx %arg8[%add3A_253] : memref<8010xf32, #tpu.memory_space<vmem>>[vector<16xi32>], vector<16xf32>,
      %ge3A_255 = arith.cmpf oge, %get3A_234, %gather3A_254 : vector<16xf32>
      %convert_element_type3A_256 = arith.extui %ge3A_255 : vector<16xi1> to vector<16xi32>
      %add3A_257 = arith.addi %min3A_247, %convert_element_type3A_256 : vector<16xi32>
      %lt3A_258 = arith.cmpf olt, %get3A_234, %gather3A_249 : vector<16xf32>
      %convert_element_type3A_259 = arith.extui %lt3A_258 : vector<16xi1> to vector<16xi32>
      %sub3A_260 = arith.subi %add3A_257, %convert_element_type3A_259 : vector<16xi32>
      %jit3A_261 = arith.constant 0 : i32
      %jit3A_262 = arith.constant 799 : i32
      %max3A_263 = vector.broadcast %jit3A_261 : i32 to vector<16xi32>
      %max3A_264 = arith.maxsi %max3A_263, %sub3A_260 : vector<16xi32>
      %min3A_265 = vector.broadcast %jit3A_262 : i32 to vector<16xi32>
      %min3A_266 = arith.minsi %min3A_265, %max3A_264 : vector<16xi32>
      %mul3A_267 = arith.constant 1600 : i32
      %mul3A_268 = vector.broadcast %mul3A_267 : i32 to vector<16xi32>
      %mul3A_269 = arith.muli %iota3A, %mul3A_268 : vector<16xi32>
      %convert_element_type3A_270 = arith.fptosi %get3A_238 : vector<16xf32> to vector<16xi32>
      %mul3A_271 = arith.constant 800 : i32
      %mul3A_272 = vector.broadcast %mul3A_271 : i32 to vector<16xi32>
      %mul3A_273 = arith.muli %convert_element_type3A_270, %mul3A_272 : vector<16xi32>
      %add3A_274 = arith.addi %mul3A_269, %mul3A_273 : vector<16xi32>
      %add3A_275 = arith.addi %add3A_274, %min3A_266 : vector<16xi32>
      tpu.vector_store_idx %arg9[%add3A_275], %broadcast_in_dim3A_56 {add = true} : memref<25600xf32, #tpu.memory_space<vmem>>[vector<16xi32>], vector<16xf32>,
      %mul3A_276 = arith.constant 8 : i32
      %mul3A_277 = arith.muli %while3A_81, %mul3A_276 : i32
      %add3A_278 = arith.constant 4 : i32
      %add3A_279 = arith.addi %mul3A_277, %add3A_278 : i32
      %mul3A_280 = arith.constant 16 : i32
      %mul3A_281 = arith.muli %add3A_279, %mul3A_280 : i32
      %get3A_282 = arith.index_cast %mul3A_281 : i32 to index
      %get3A_283 = tpu.vector_load %arg6[%get3A_282] {strides = array<i32>} : memref<5632xf32, #tpu.memory_space<vmem>>, vector<16xf32>,
      %mul3A_284 = arith.constant 16 : i32
      %mul3A_285 = arith.muli %add3A_279, %mul3A_284 : i32
      %get3A_286 = arith.index_cast %mul3A_285 : i32 to index
      %get3A_287 = tpu.vector_load %arg7[%get3A_286] {strides = array<i32>} : memref<5632xf32, #tpu.memory_space<vmem>>, vector<16xf32>,
      %sub3A_288 = arith.subf %get3A_283, %gather3A : vector<16xf32>
      %mul3A_289 = arith.mulf %sub3A_288, %div3A_54 : vector<16xf32>
      %convert_element_type3A_290 = arith.fptosi %mul3A_289 : vector<16xf32> to vector<16xi32>
      %jit3A_291 = arith.constant 0 : i32
      %jit3A_292 = arith.constant 799 : i32
      %max3A_293 = vector.broadcast %jit3A_291 : i32 to vector<16xi32>
      %max3A_294 = arith.maxsi %max3A_293, %convert_element_type3A_290 : vector<16xi32>
      %min3A_295 = vector.broadcast %jit3A_292 : i32 to vector<16xi32>
      %min3A_296 = arith.minsi %min3A_295, %max3A_294 : vector<16xi32>
      %add3A_297 = arith.addi %broadcast_in_dim3A, %min3A_296 : vector<16xi32>
      %gather3A_298 = tpu.vector_load_idx %arg8[%add3A_297] : memref<8010xf32, #tpu.memory_space<vmem>>[vector<16xi32>], vector<16xf32>,
      %add3A_299 = arith.addi %broadcast_in_dim3A, %min3A_296 : vector<16xi32>
      %add3A_300 = arith.constant 1 : i32
      %add3A_301 = vector.broadcast %add3A_300 : i32 to vector<16xi32>
      %add3A_302 = arith.addi %add3A_299, %add3A_301 : vector<16xi32>
      %gather3A_303 = tpu.vector_load_idx %arg8[%add3A_302] : memref<8010xf32, #tpu.memory_space<vmem>>[vector<16xi32>], vector<16xf32>,
      %ge3A_304 = arith.cmpf oge, %get3A_283, %gather3A_303 : vector<16xf32>
      %convert_element_type3A_305 = arith.extui %ge3A_304 : vector<16xi1> to vector<16xi32>
      %add3A_306 = arith.addi %min3A_296, %convert_element_type3A_305 : vector<16xi32>
      %lt3A_307 = arith.cmpf olt, %get3A_283, %gather3A_298 : vector<16xf32>
      %convert_element_type3A_308 = arith.extui %lt3A_307 : vector<16xi1> to vector<16xi32>
      %sub3A_309 = arith.subi %add3A_306, %convert_element_type3A_308 : vector<16xi32>
      %jit3A_310 = arith.constant 0 : i32
      %jit3A_311 = arith.constant 799 : i32
      %max3A_312 = vector.broadcast %jit3A_310 : i32 to vector<16xi32>
      %max3A_313 = arith.maxsi %max3A_312, %sub3A_309 : vector<16xi32>
      %min3A_314 = vector.broadcast %jit3A_311 : i32 to vector<16xi32>
      %min3A_315 = arith.minsi %min3A_314, %max3A_313 : vector<16xi32>
      %mul3A_316 = arith.constant 1600 : i32
      %mul3A_317 = vector.broadcast %mul3A_316 : i32 to vector<16xi32>
      %mul3A_318 = arith.muli %iota3A, %mul3A_317 : vector<16xi32>
      %convert_element_type3A_319 = arith.fptosi %get3A_287 : vector<16xf32> to vector<16xi32>
      %mul3A_320 = arith.constant 800 : i32
      %mul3A_321 = vector.broadcast %mul3A_320 : i32 to vector<16xi32>
      %mul3A_322 = arith.muli %convert_element_type3A_319, %mul3A_321 : vector<16xi32>
      %add3A_323 = arith.addi %mul3A_318, %mul3A_322 : vector<16xi32>
      %add3A_324 = arith.addi %add3A_323, %min3A_315 : vector<16xi32>
      tpu.vector_store_idx %arg9[%add3A_324], %broadcast_in_dim3A_56 {add = true} : memref<25600xf32, #tpu.memory_space<vmem>>[vector<16xi32>], vector<16xf32>,
      %mul3A_325 = arith.constant 8 : i32
      %mul3A_326 = arith.muli %while3A_81, %mul3A_325 : i32
      %add3A_327 = arith.constant 5 : i32
      %add3A_328 = arith.addi %mul3A_326, %add3A_327 : i32
      %mul3A_329 = arith.constant 16 : i32
      %mul3A_330 = arith.muli %add3A_328, %mul3A_329 : i32
      %get3A_331 = arith.index_cast %mul3A_330 : i32 to index
      %get3A_332 = tpu.vector_load %arg6[%get3A_331] {strides = array<i32>} : memref<5632xf32, #tpu.memory_space<vmem>>, vector<16xf32>,
      %mul3A_333 = arith.constant 16 : i32
      %mul3A_334 = arith.muli %add3A_328, %mul3A_333 : i32
      %get3A_335 = arith.index_cast %mul3A_334 : i32 to index
      %get3A_336 = tpu.vector_load %arg7[%get3A_335] {strides = array<i32>} : memref<5632xf32, #tpu.memory_space<vmem>>, vector<16xf32>,
      %sub3A_337 = arith.subf %get3A_332, %gather3A : vector<16xf32>
      %mul3A_338 = arith.mulf %sub3A_337, %div3A_54 : vector<16xf32>
      %convert_element_type3A_339 = arith.fptosi %mul3A_338 : vector<16xf32> to vector<16xi32>
      %jit3A_340 = arith.constant 0 : i32
      %jit3A_341 = arith.constant 799 : i32
      %max3A_342 = vector.broadcast %jit3A_340 : i32 to vector<16xi32>
      %max3A_343 = arith.maxsi %max3A_342, %convert_element_type3A_339 : vector<16xi32>
      %min3A_344 = vector.broadcast %jit3A_341 : i32 to vector<16xi32>
      %min3A_345 = arith.minsi %min3A_344, %max3A_343 : vector<16xi32>
      %add3A_346 = arith.addi %broadcast_in_dim3A, %min3A_345 : vector<16xi32>
      %gather3A_347 = tpu.vector_load_idx %arg8[%add3A_346] : memref<8010xf32, #tpu.memory_space<vmem>>[vector<16xi32>], vector<16xf32>,
      %add3A_348 = arith.addi %broadcast_in_dim3A, %min3A_345 : vector<16xi32>
      %add3A_349 = arith.constant 1 : i32
      %add3A_350 = vector.broadcast %add3A_349 : i32 to vector<16xi32>
      %add3A_351 = arith.addi %add3A_348, %add3A_350 : vector<16xi32>
      %gather3A_352 = tpu.vector_load_idx %arg8[%add3A_351] : memref<8010xf32, #tpu.memory_space<vmem>>[vector<16xi32>], vector<16xf32>,
      %ge3A_353 = arith.cmpf oge, %get3A_332, %gather3A_352 : vector<16xf32>
      %convert_element_type3A_354 = arith.extui %ge3A_353 : vector<16xi1> to vector<16xi32>
      %add3A_355 = arith.addi %min3A_345, %convert_element_type3A_354 : vector<16xi32>
      %lt3A_356 = arith.cmpf olt, %get3A_332, %gather3A_347 : vector<16xf32>
      %convert_element_type3A_357 = arith.extui %lt3A_356 : vector<16xi1> to vector<16xi32>
      %sub3A_358 = arith.subi %add3A_355, %convert_element_type3A_357 : vector<16xi32>
      %jit3A_359 = arith.constant 0 : i32
      %jit3A_360 = arith.constant 799 : i32
      %max3A_361 = vector.broadcast %jit3A_359 : i32 to vector<16xi32>
      %max3A_362 = arith.maxsi %max3A_361, %sub3A_358 : vector<16xi32>
      %min3A_363 = vector.broadcast %jit3A_360 : i32 to vector<16xi32>
      %min3A_364 = arith.minsi %min3A_363, %max3A_362 : vector<16xi32>
      %mul3A_365 = arith.constant 1600 : i32
      %mul3A_366 = vector.broadcast %mul3A_365 : i32 to vector<16xi32>
      %mul3A_367 = arith.muli %iota3A, %mul3A_366 : vector<16xi32>
      %convert_element_type3A_368 = arith.fptosi %get3A_336 : vector<16xf32> to vector<16xi32>
      %mul3A_369 = arith.constant 800 : i32
      %mul3A_370 = vector.broadcast %mul3A_369 : i32 to vector<16xi32>
      %mul3A_371 = arith.muli %convert_element_type3A_368, %mul3A_370 : vector<16xi32>
      %add3A_372 = arith.addi %mul3A_367, %mul3A_371 : vector<16xi32>
      %add3A_373 = arith.addi %add3A_372, %min3A_364 : vector<16xi32>
      tpu.vector_store_idx %arg9[%add3A_373], %broadcast_in_dim3A_56 {add = true} : memref<25600xf32, #tpu.memory_space<vmem>>[vector<16xi32>], vector<16xf32>,
      %mul3A_374 = arith.constant 8 : i32
      %mul3A_375 = arith.muli %while3A_81, %mul3A_374 : i32
      %add3A_376 = arith.constant 6 : i32
      %add3A_377 = arith.addi %mul3A_375, %add3A_376 : i32
      %mul3A_378 = arith.constant 16 : i32
      %mul3A_379 = arith.muli %add3A_377, %mul3A_378 : i32
      %get3A_380 = arith.index_cast %mul3A_379 : i32 to index
      %get3A_381 = tpu.vector_load %arg6[%get3A_380] {strides = array<i32>} : memref<5632xf32, #tpu.memory_space<vmem>>, vector<16xf32>,
      %mul3A_382 = arith.constant 16 : i32
      %mul3A_383 = arith.muli %add3A_377, %mul3A_382 : i32
      %get3A_384 = arith.index_cast %mul3A_383 : i32 to index
      %get3A_385 = tpu.vector_load %arg7[%get3A_384] {strides = array<i32>} : memref<5632xf32, #tpu.memory_space<vmem>>, vector<16xf32>,
      %sub3A_386 = arith.subf %get3A_381, %gather3A : vector<16xf32>
      %mul3A_387 = arith.mulf %sub3A_386, %div3A_54 : vector<16xf32>
      %convert_element_type3A_388 = arith.fptosi %mul3A_387 : vector<16xf32> to vector<16xi32>
      %jit3A_389 = arith.constant 0 : i32
      %jit3A_390 = arith.constant 799 : i32
      %max3A_391 = vector.broadcast %jit3A_389 : i32 to vector<16xi32>
      %max3A_392 = arith.maxsi %max3A_391, %convert_element_type3A_388 : vector<16xi32>
      %min3A_393 = vector.broadcast %jit3A_390 : i32 to vector<16xi32>
      %min3A_394 = arith.minsi %min3A_393, %max3A_392 : vector<16xi32>
      %add3A_395 = arith.addi %broadcast_in_dim3A, %min3A_394 : vector<16xi32>
      %gather3A_396 = tpu.vector_load_idx %arg8[%add3A_395] : memref<8010xf32, #tpu.memory_space<vmem>>[vector<16xi32>], vector<16xf32>,
      %add3A_397 = arith.addi %broadcast_in_dim3A, %min3A_394 : vector<16xi32>
      %add3A_398 = arith.constant 1 : i32
      %add3A_399 = vector.broadcast %add3A_398 : i32 to vector<16xi32>
      %add3A_400 = arith.addi %add3A_397, %add3A_399 : vector<16xi32>
      %gather3A_401 = tpu.vector_load_idx %arg8[%add3A_400] : memref<8010xf32, #tpu.memory_space<vmem>>[vector<16xi32>], vector<16xf32>,
      %ge3A_402 = arith.cmpf oge, %get3A_381, %gather3A_401 : vector<16xf32>
      %convert_element_type3A_403 = arith.extui %ge3A_402 : vector<16xi1> to vector<16xi32>
      %add3A_404 = arith.addi %min3A_394, %convert_element_type3A_403 : vector<16xi32>
      %lt3A_405 = arith.cmpf olt, %get3A_381, %gather3A_396 : vector<16xf32>
      %convert_element_type3A_406 = arith.extui %lt3A_405 : vector<16xi1> to vector<16xi32>
      %sub3A_407 = arith.subi %add3A_404, %convert_element_type3A_406 : vector<16xi32>
      %jit3A_408 = arith.constant 0 : i32
      %jit3A_409 = arith.constant 799 : i32
      %max3A_410 = vector.broadcast %jit3A_408 : i32 to vector<16xi32>
      %max3A_411 = arith.maxsi %max3A_410, %sub3A_407 : vector<16xi32>
      %min3A_412 = vector.broadcast %jit3A_409 : i32 to vector<16xi32>
      %min3A_413 = arith.minsi %min3A_412, %max3A_411 : vector<16xi32>
      %mul3A_414 = arith.constant 1600 : i32
      %mul3A_415 = vector.broadcast %mul3A_414 : i32 to vector<16xi32>
      %mul3A_416 = arith.muli %iota3A, %mul3A_415 : vector<16xi32>
      %convert_element_type3A_417 = arith.fptosi %get3A_385 : vector<16xf32> to vector<16xi32>
      %mul3A_418 = arith.constant 800 : i32
      %mul3A_419 = vector.broadcast %mul3A_418 : i32 to vector<16xi32>
      %mul3A_420 = arith.muli %convert_element_type3A_417, %mul3A_419 : vector<16xi32>
      %add3A_421 = arith.addi %mul3A_416, %mul3A_420 : vector<16xi32>
      %add3A_422 = arith.addi %add3A_421, %min3A_413 : vector<16xi32>
      tpu.vector_store_idx %arg9[%add3A_422], %broadcast_in_dim3A_56 {add = true} : memref<25600xf32, #tpu.memory_space<vmem>>[vector<16xi32>], vector<16xf32>,
      %mul3A_423 = arith.constant 8 : i32
      %mul3A_424 = arith.muli %while3A_81, %mul3A_423 : i32
      %add3A_425 = arith.constant 7 : i32
      %add3A_426 = arith.addi %mul3A_424, %add3A_425 : i32
      %mul3A_427 = arith.constant 16 : i32
      %mul3A_428 = arith.muli %add3A_426, %mul3A_427 : i32
      %get3A_429 = arith.index_cast %mul3A_428 : i32 to index
      %get3A_430 = tpu.vector_load %arg6[%get3A_429] {strides = array<i32>} : memref<5632xf32, #tpu.memory_space<vmem>>, vector<16xf32>,
      %mul3A_431 = arith.constant 16 : i32
      %mul3A_432 = arith.muli %add3A_426, %mul3A_431 : i32
      %get3A_433 = arith.index_cast %mul3A_432 : i32 to index
      %get3A_434 = tpu.vector_load %arg7[%get3A_433] {strides = array<i32>} : memref<5632xf32, #tpu.memory_space<vmem>>, vector<16xf32>,
      %sub3A_435 = arith.subf %get3A_430, %gather3A : vector<16xf32>
      %mul3A_436 = arith.mulf %sub3A_435, %div3A_54 : vector<16xf32>
      %convert_element_type3A_437 = arith.fptosi %mul3A_436 : vector<16xf32> to vector<16xi32>
      %jit3A_438 = arith.constant 0 : i32
      %jit3A_439 = arith.constant 799 : i32
      %max3A_440 = vector.broadcast %jit3A_438 : i32 to vector<16xi32>
      %max3A_441 = arith.maxsi %max3A_440, %convert_element_type3A_437 : vector<16xi32>
      %min3A_442 = vector.broadcast %jit3A_439 : i32 to vector<16xi32>
      %min3A_443 = arith.minsi %min3A_442, %max3A_441 : vector<16xi32>
      %add3A_444 = arith.addi %broadcast_in_dim3A, %min3A_443 : vector<16xi32>
      %gather3A_445 = tpu.vector_load_idx %arg8[%add3A_444] : memref<8010xf32, #tpu.memory_space<vmem>>[vector<16xi32>], vector<16xf32>,
      %add3A_446 = arith.addi %broadcast_in_dim3A, %min3A_443 : vector<16xi32>
      %add3A_447 = arith.constant 1 : i32
      %add3A_448 = vector.broadcast %add3A_447 : i32 to vector<16xi32>
      %add3A_449 = arith.addi %add3A_446, %add3A_448 : vector<16xi32>
      %gather3A_450 = tpu.vector_load_idx %arg8[%add3A_449] : memref<8010xf32, #tpu.memory_space<vmem>>[vector<16xi32>], vector<16xf32>,
      %ge3A_451 = arith.cmpf oge, %get3A_430, %gather3A_450 : vector<16xf32>
      %convert_element_type3A_452 = arith.extui %ge3A_451 : vector<16xi1> to vector<16xi32>
      %add3A_453 = arith.addi %min3A_443, %convert_element_type3A_452 : vector<16xi32>
      %lt3A_454 = arith.cmpf olt, %get3A_430, %gather3A_445 : vector<16xf32>
      %convert_element_type3A_455 = arith.extui %lt3A_454 : vector<16xi1> to vector<16xi32>
      %sub3A_456 = arith.subi %add3A_453, %convert_element_type3A_455 : vector<16xi32>
      %jit3A_457 = arith.constant 0 : i32
      %jit3A_458 = arith.constant 799 : i32
      %max3A_459 = vector.broadcast %jit3A_457 : i32 to vector<16xi32>
      %max3A_460 = arith.maxsi %max3A_459, %sub3A_456 : vector<16xi32>
      %min3A_461 = vector.broadcast %jit3A_458 : i32 to vector<16xi32>
      %min3A_462 = arith.minsi %min3A_461, %max3A_460 : vector<16xi32>
      %mul3A_463 = arith.constant 1600 : i32
      %mul3A_464 = vector.broadcast %mul3A_463 : i32 to vector<16xi32>
      %mul3A_465 = arith.muli %iota3A, %mul3A_464 : vector<16xi32>
      %convert_element_type3A_466 = arith.fptosi %get3A_434 : vector<16xf32> to vector<16xi32>
      %mul3A_467 = arith.constant 800 : i32
      %mul3A_468 = vector.broadcast %mul3A_467 : i32 to vector<16xi32>
      %mul3A_469 = arith.muli %convert_element_type3A_466, %mul3A_468 : vector<16xi32>
      %add3A_470 = arith.addi %mul3A_465, %mul3A_469 : vector<16xi32>
      %add3A_471 = arith.addi %add3A_470, %min3A_462 : vector<16xi32>
      tpu.vector_store_idx %arg9[%add3A_471], %broadcast_in_dim3A_56 {add = true} : memref<25600xf32, #tpu.memory_space<vmem>>[vector<16xi32>], vector<16xf32>,
      %while3A_472 = arith.constant 0 : i32
      scf.yield %while3A_472 : i32
    }
    %while3A_72 = arith.constant 1 : i32
    %while3A_73 = scf.for %while3A_81 = %while3A_69 to %while3A_65 step %while3A_72 iter_args(%while3A_82 = %while3A_71) -> (i32)  : i32 {
      %mul3A_83 = arith.constant 8 : i32
      %mul3A_84 = arith.muli %while3A_81, %mul3A_83 : i32
      %add3A_85 = arith.constant 0 : i32
      %add3A_86 = arith.addi %mul3A_84, %add3A_85 : i32
      %mul3A_87 = arith.constant 16 : i32
      %mul3A_88 = arith.muli %add3A_86, %mul3A_87 : i32
      %get3A = arith.index_cast %mul3A_88 : i32 to index
      %get3A_89 = tpu.vector_load %arg6[%get3A] {strides = array<i32>} : memref<5632xf32, #tpu.memory_space<vmem>>, vector<16xf32>,
      %mul3A_90 = arith.constant 16 : i32
      %mul3A_91 = arith.muli %add3A_86, %mul3A_90 : i32
      %get3A_92 = arith.index_cast %mul3A_91 : i32 to index
      %get3A_93 = tpu.vector_load %arg7[%get3A_92] {strides = array<i32>} : memref<5632xf32, #tpu.memory_space<vmem>>, vector<16xf32>,
      %sub3A_94 = arith.subf %get3A_89, %gather3A : vector<16xf32>
      %mul3A_95 = arith.mulf %sub3A_94, %div3A_54 : vector<16xf32>
      %convert_element_type3A = arith.fptosi %mul3A_95 : vector<16xf32> to vector<16xi32>
      %jit3A_96 = arith.constant 0 : i32
      %jit3A_97 = arith.constant 799 : i32
      %max3A = vector.broadcast %jit3A_96 : i32 to vector<16xi32>
      %max3A_98 = arith.maxsi %max3A, %convert_element_type3A : vector<16xi32>
      %min3A_99 = vector.broadcast %jit3A_97 : i32 to vector<16xi32>
      %min3A_100 = arith.minsi %min3A_99, %max3A_98 : vector<16xi32>
      %add3A_101 = arith.addi %broadcast_in_dim3A, %min3A_100 : vector<16xi32>
      %gather3A_102 = tpu.vector_load_idx %arg8[%add3A_101] : memref<8010xf32, #tpu.memory_space<vmem>>[vector<16xi32>], vector<16xf32>,
      %add3A_103 = arith.addi %broadcast_in_dim3A, %min3A_100 : vector<16xi32>
      %add3A_104 = arith.constant 1 : i32
      %add3A_105 = vector.broadcast %add3A_104 : i32 to vector<16xi32>
      %add3A_106 = arith.addi %add3A_103, %add3A_105 : vector<16xi32>
      %gather3A_107 = tpu.vector_load_idx %arg8[%add3A_106] : memref<8010xf32, #tpu.memory_space<vmem>>[vector<16xi32>], vector<16xf32>,
      %ge3A_108 = arith.cmpf oge, %get3A_89, %gather3A_107 : vector<16xf32>
      %convert_element_type3A_109 = arith.extui %ge3A_108 : vector<16xi1> to vector<16xi32>
      %add3A_110 = arith.addi %min3A_100, %convert_element_type3A_109 : vector<16xi32>
      %lt3A_111 = arith.cmpf olt, %get3A_89, %gather3A_102 : vector<16xf32>
      %convert_element_type3A_112 = arith.extui %lt3A_111 : vector<16xi1> to vector<16xi32>
      %sub3A_113 = arith.subi %add3A_110, %convert_element_type3A_112 : vector<16xi32>
      %jit3A_114 = arith.constant 0 : i32
      %jit3A_115 = arith.constant 799 : i32
      %max3A_116 = vector.broadcast %jit3A_114 : i32 to vector<16xi32>
      %max3A_117 = arith.maxsi %max3A_116, %sub3A_113 : vector<16xi32>
      %min3A_118 = vector.broadcast %jit3A_115 : i32 to vector<16xi32>
      %min3A_119 = arith.minsi %min3A_118, %max3A_117 : vector<16xi32>
      %mul3A_120 = arith.constant 1600 : i32
      %mul3A_121 = vector.broadcast %mul3A_120 : i32 to vector<16xi32>
      %mul3A_122 = arith.muli %iota3A, %mul3A_121 : vector<16xi32>
      %convert_element_type3A_123 = arith.fptosi %get3A_93 : vector<16xf32> to vector<16xi32>
      %mul3A_124 = arith.constant 800 : i32
      %mul3A_125 = vector.broadcast %mul3A_124 : i32 to vector<16xi32>
      %mul3A_126 = arith.muli %convert_element_type3A_123, %mul3A_125 : vector<16xi32>
      %add3A_127 = arith.addi %mul3A_122, %mul3A_126 : vector<16xi32>
      %add3A_128 = arith.addi %add3A_127, %min3A_119 : vector<16xi32>
      tpu.vector_store_idx %arg9[%add3A_128], %broadcast_in_dim3A_56 {add = true} : memref<25600xf32, #tpu.memory_space<vmem>>[vector<16xi32>], vector<16xf32>,
      %mul3A_129 = arith.constant 8 : i32
      %mul3A_130 = arith.muli %while3A_81, %mul3A_129 : i32
      %add3A_131 = arith.constant 1 : i32
      %add3A_132 = arith.addi %mul3A_130, %add3A_131 : i32
      %mul3A_133 = arith.constant 16 : i32
      %mul3A_134 = arith.muli %add3A_132, %mul3A_133 : i32
      %get3A_135 = arith.index_cast %mul3A_134 : i32 to index
      %get3A_136 = tpu.vector_load %arg6[%get3A_135] {strides = array<i32>} : memref<5632xf32, #tpu.memory_space<vmem>>, vector<16xf32>,
      %mul3A_137 = arith.constant 16 : i32
      %mul3A_138 = arith.muli %add3A_132, %mul3A_137 : i32
      %get3A_139 = arith.index_cast %mul3A_138 : i32 to index
      %get3A_140 = tpu.vector_load %arg7[%get3A_139] {strides = array<i32>} : memref<5632xf32, #tpu.memory_space<vmem>>, vector<16xf32>,
      %sub3A_141 = arith.subf %get3A_136, %gather3A : vector<16xf32>
      %mul3A_142 = arith.mulf %sub3A_141, %div3A_54 : vector<16xf32>
      %convert_element_type3A_143 = arith.fptosi %mul3A_142 : vector<16xf32> to vector<16xi32>
      %jit3A_144 = arith.constant 0 : i32
      %jit3A_145 = arith.constant 799 : i32
      %max3A_146 = vector.broadcast %jit3A_144 : i32 to vector<16xi32>
      %max3A_147 = arith.maxsi %max3A_146, %convert_element_type3A_143 : vector<16xi32>
      %min3A_148 = vector.broadcast %jit3A_145 : i32 to vector<16xi32>
      %min3A_149 = arith.minsi %min3A_148, %max3A_147 : vector<16xi32>
      %add3A_150 = arith.addi %broadcast_in_dim3A, %min3A_149 : vector<16xi32>
      %gather3A_151 = tpu.vector_load_idx %arg8[%add3A_150] : memref<8010xf32, #tpu.memory_space<vmem>>[vector<16xi32>], vector<16xf32>,
      %add3A_152 = arith.addi %broadcast_in_dim3A, %min3A_149 : vector<16xi32>
      %add3A_153 = arith.constant 1 : i32
      %add3A_154 = vector.broadcast %add3A_153 : i32 to vector<16xi32>
      %add3A_155 = arith.addi %add3A_152, %add3A_154 : vector<16xi32>
      %gather3A_156 = tpu.vector_load_idx %arg8[%add3A_155] : memref<8010xf32, #tpu.memory_space<vmem>>[vector<16xi32>], vector<16xf32>,
      %ge3A_157 = arith.cmpf oge, %get3A_136, %gather3A_156 : vector<16xf32>
      %convert_element_type3A_158 = arith.extui %ge3A_157 : vector<16xi1> to vector<16xi32>
      %add3A_159 = arith.addi %min3A_149, %convert_element_type3A_158 : vector<16xi32>
      %lt3A_160 = arith.cmpf olt, %get3A_136, %gather3A_151 : vector<16xf32>
      %convert_element_type3A_161 = arith.extui %lt3A_160 : vector<16xi1> to vector<16xi32>
      %sub3A_162 = arith.subi %add3A_159, %convert_element_type3A_161 : vector<16xi32>
      %jit3A_163 = arith.constant 0 : i32
      %jit3A_164 = arith.constant 799 : i32
      %max3A_165 = vector.broadcast %jit3A_163 : i32 to vector<16xi32>
      %max3A_166 = arith.maxsi %max3A_165, %sub3A_162 : vector<16xi32>
      %min3A_167 = vector.broadcast %jit3A_164 : i32 to vector<16xi32>
      %min3A_168 = arith.minsi %min3A_167, %max3A_166 : vector<16xi32>
      %mul3A_169 = arith.constant 1600 : i32
      %mul3A_170 = vector.broadcast %mul3A_169 : i32 to vector<16xi32>
      %mul3A_171 = arith.muli %iota3A, %mul3A_170 : vector<16xi32>
      %convert_element_type3A_172 = arith.fptosi %get3A_140 : vector<16xf32> to vector<16xi32>
      %mul3A_173 = arith.constant 800 : i32
      %mul3A_174 = vector.broadcast %mul3A_173 : i32 to vector<16xi32>
      %mul3A_175 = arith.muli %convert_element_type3A_172, %mul3A_174 : vector<16xi32>
      %add3A_176 = arith.addi %mul3A_171, %mul3A_175 : vector<16xi32>
      %add3A_177 = arith.addi %add3A_176, %min3A_168 : vector<16xi32>
      tpu.vector_store_idx %arg9[%add3A_177], %broadcast_in_dim3A_56 {add = true} : memref<25600xf32, #tpu.memory_space<vmem>>[vector<16xi32>], vector<16xf32>,
      %mul3A_178 = arith.constant 8 : i32
      %mul3A_179 = arith.muli %while3A_81, %mul3A_178 : i32
      %add3A_180 = arith.constant 2 : i32
      %add3A_181 = arith.addi %mul3A_179, %add3A_180 : i32
      %mul3A_182 = arith.constant 16 : i32
      %mul3A_183 = arith.muli %add3A_181, %mul3A_182 : i32
      %get3A_184 = arith.index_cast %mul3A_183 : i32 to index
      %get3A_185 = tpu.vector_load %arg6[%get3A_184] {strides = array<i32>} : memref<5632xf32, #tpu.memory_space<vmem>>, vector<16xf32>,
      %mul3A_186 = arith.constant 16 : i32
      %mul3A_187 = arith.muli %add3A_181, %mul3A_186 : i32
      %get3A_188 = arith.index_cast %mul3A_187 : i32 to index
      %get3A_189 = tpu.vector_load %arg7[%get3A_188] {strides = array<i32>} : memref<5632xf32, #tpu.memory_space<vmem>>, vector<16xf32>,
      %sub3A_190 = arith.subf %get3A_185, %gather3A : vector<16xf32>
      %mul3A_191 = arith.mulf %sub3A_190, %div3A_54 : vector<16xf32>
      %convert_element_type3A_192 = arith.fptosi %mul3A_191 : vector<16xf32> to vector<16xi32>
      %jit3A_193 = arith.constant 0 : i32
      %jit3A_194 = arith.constant 799 : i32
      %max3A_195 = vector.broadcast %jit3A_193 : i32 to vector<16xi32>
      %max3A_196 = arith.maxsi %max3A_195, %convert_element_type3A_192 : vector<16xi32>
      %min3A_197 = vector.broadcast %jit3A_194 : i32 to vector<16xi32>
      %min3A_198 = arith.minsi %min3A_197, %max3A_196 : vector<16xi32>
      %add3A_199 = arith.addi %broadcast_in_dim3A, %min3A_198 : vector<16xi32>
      %gather3A_200 = tpu.vector_load_idx %arg8[%add3A_199] : memref<8010xf32, #tpu.memory_space<vmem>>[vector<16xi32>], vector<16xf32>,
      %add3A_201 = arith.addi %broadcast_in_dim3A, %min3A_198 : vector<16xi32>
      %add3A_202 = arith.constant 1 : i32
      %add3A_203 = vector.broadcast %add3A_202 : i32 to vector<16xi32>
      %add3A_204 = arith.addi %add3A_201, %add3A_203 : vector<16xi32>
      %gather3A_205 = tpu.vector_load_idx %arg8[%add3A_204] : memref<8010xf32, #tpu.memory_space<vmem>>[vector<16xi32>], vector<16xf32>,
      %ge3A_206 = arith.cmpf oge, %get3A_185, %gather3A_205 : vector<16xf32>
      %convert_element_type3A_207 = arith.extui %ge3A_206 : vector<16xi1> to vector<16xi32>
      %add3A_208 = arith.addi %min3A_198, %convert_element_type3A_207 : vector<16xi32>
      %lt3A_209 = arith.cmpf olt, %get3A_185, %gather3A_200 : vector<16xf32>
      %convert_element_type3A_210 = arith.extui %lt3A_209 : vector<16xi1> to vector<16xi32>
      %sub3A_211 = arith.subi %add3A_208, %convert_element_type3A_210 : vector<16xi32>
      %jit3A_212 = arith.constant 0 : i32
      %jit3A_213 = arith.constant 799 : i32
      %max3A_214 = vector.broadcast %jit3A_212 : i32 to vector<16xi32>
      %max3A_215 = arith.maxsi %max3A_214, %sub3A_211 : vector<16xi32>
      %min3A_216 = vector.broadcast %jit3A_213 : i32 to vector<16xi32>
      %min3A_217 = arith.minsi %min3A_216, %max3A_215 : vector<16xi32>
      %mul3A_218 = arith.constant 1600 : i32
      %mul3A_219 = vector.broadcast %mul3A_218 : i32 to vector<16xi32>
      %mul3A_220 = arith.muli %iota3A, %mul3A_219 : vector<16xi32>
      %convert_element_type3A_221 = arith.fptosi %get3A_189 : vector<16xf32> to vector<16xi32>
      %mul3A_222 = arith.constant 800 : i32
      %mul3A_223 = vector.broadcast %mul3A_222 : i32 to vector<16xi32>
      %mul3A_224 = arith.muli %convert_element_type3A_221, %mul3A_223 : vector<16xi32>
      %add3A_225 = arith.addi %mul3A_220, %mul3A_224 : vector<16xi32>
      %add3A_226 = arith.addi %add3A_225, %min3A_217 : vector<16xi32>
      tpu.vector_store_idx %arg9[%add3A_226], %broadcast_in_dim3A_56 {add = true} : memref<25600xf32, #tpu.memory_space<vmem>>[vector<16xi32>], vector<16xf32>,
      %mul3A_227 = arith.constant 8 : i32
      %mul3A_228 = arith.muli %while3A_81, %mul3A_227 : i32
      %add3A_229 = arith.constant 3 : i32
      %add3A_230 = arith.addi %mul3A_228, %add3A_229 : i32
      %mul3A_231 = arith.constant 16 : i32
      %mul3A_232 = arith.muli %add3A_230, %mul3A_231 : i32
      %get3A_233 = arith.index_cast %mul3A_232 : i32 to index
      %get3A_234 = tpu.vector_load %arg6[%get3A_233] {strides = array<i32>} : memref<5632xf32, #tpu.memory_space<vmem>>, vector<16xf32>,
      %mul3A_235 = arith.constant 16 : i32
      %mul3A_236 = arith.muli %add3A_230, %mul3A_235 : i32
      %get3A_237 = arith.index_cast %mul3A_236 : i32 to index
      %get3A_238 = tpu.vector_load %arg7[%get3A_237] {strides = array<i32>} : memref<5632xf32, #tpu.memory_space<vmem>>, vector<16xf32>,
      %sub3A_239 = arith.subf %get3A_234, %gather3A : vector<16xf32>
      %mul3A_240 = arith.mulf %sub3A_239, %div3A_54 : vector<16xf32>
      %convert_element_type3A_241 = arith.fptosi %mul3A_240 : vector<16xf32> to vector<16xi32>
      %jit3A_242 = arith.constant 0 : i32
      %jit3A_243 = arith.constant 799 : i32
      %max3A_244 = vector.broadcast %jit3A_242 : i32 to vector<16xi32>
      %max3A_245 = arith.maxsi %max3A_244, %convert_element_type3A_241 : vector<16xi32>
      %min3A_246 = vector.broadcast %jit3A_243 : i32 to vector<16xi32>
      %min3A_247 = arith.minsi %min3A_246, %max3A_245 : vector<16xi32>
      %add3A_248 = arith.addi %broadcast_in_dim3A, %min3A_247 : vector<16xi32>
      %gather3A_249 = tpu.vector_load_idx %arg8[%add3A_248] : memref<8010xf32, #tpu.memory_space<vmem>>[vector<16xi32>], vector<16xf32>,
      %add3A_250 = arith.addi %broadcast_in_dim3A, %min3A_247 : vector<16xi32>
      %add3A_251 = arith.constant 1 : i32
      %add3A_252 = vector.broadcast %add3A_251 : i32 to vector<16xi32>
      %add3A_253 = arith.addi %add3A_250, %add3A_252 : vector<16xi32>
      %gather3A_254 = tpu.vector_load_idx %arg8[%add3A_253] : memref<8010xf32, #tpu.memory_space<vmem>>[vector<16xi32>], vector<16xf32>,
      %ge3A_255 = arith.cmpf oge, %get3A_234, %gather3A_254 : vector<16xf32>
      %convert_element_type3A_256 = arith.extui %ge3A_255 : vector<16xi1> to vector<16xi32>
      %add3A_257 = arith.addi %min3A_247, %convert_element_type3A_256 : vector<16xi32>
      %lt3A_258 = arith.cmpf olt, %get3A_234, %gather3A_249 : vector<16xf32>
      %convert_element_type3A_259 = arith.extui %lt3A_258 : vector<16xi1> to vector<16xi32>
      %sub3A_260 = arith.subi %add3A_257, %convert_element_type3A_259 : vector<16xi32>
      %jit3A_261 = arith.constant 0 : i32
      %jit3A_262 = arith.constant 799 : i32
      %max3A_263 = vector.broadcast %jit3A_261 : i32 to vector<16xi32>
      %max3A_264 = arith.maxsi %max3A_263, %sub3A_260 : vector<16xi32>
      %min3A_265 = vector.broadcast %jit3A_262 : i32 to vector<16xi32>
      %min3A_266 = arith.minsi %min3A_265, %max3A_264 : vector<16xi32>
      %mul3A_267 = arith.constant 1600 : i32
      %mul3A_268 = vector.broadcast %mul3A_267 : i32 to vector<16xi32>
      %mul3A_269 = arith.muli %iota3A, %mul3A_268 : vector<16xi32>
      %convert_element_type3A_270 = arith.fptosi %get3A_238 : vector<16xf32> to vector<16xi32>
      %mul3A_271 = arith.constant 800 : i32
      %mul3A_272 = vector.broadcast %mul3A_271 : i32 to vector<16xi32>
      %mul3A_273 = arith.muli %convert_element_type3A_270, %mul3A_272 : vector<16xi32>
      %add3A_274 = arith.addi %mul3A_269, %mul3A_273 : vector<16xi32>
      %add3A_275 = arith.addi %add3A_274, %min3A_266 : vector<16xi32>
      tpu.vector_store_idx %arg9[%add3A_275], %broadcast_in_dim3A_56 {add = true} : memref<25600xf32, #tpu.memory_space<vmem>>[vector<16xi32>], vector<16xf32>,
      %mul3A_276 = arith.constant 8 : i32
      %mul3A_277 = arith.muli %while3A_81, %mul3A_276 : i32
      %add3A_278 = arith.constant 4 : i32
      %add3A_279 = arith.addi %mul3A_277, %add3A_278 : i32
      %mul3A_280 = arith.constant 16 : i32
      %mul3A_281 = arith.muli %add3A_279, %mul3A_280 : i32
      %get3A_282 = arith.index_cast %mul3A_281 : i32 to index
      %get3A_283 = tpu.vector_load %arg6[%get3A_282] {strides = array<i32>} : memref<5632xf32, #tpu.memory_space<vmem>>, vector<16xf32>,
      %mul3A_284 = arith.constant 16 : i32
      %mul3A_285 = arith.muli %add3A_279, %mul3A_284 : i32
      %get3A_286 = arith.index_cast %mul3A_285 : i32 to index
      %get3A_287 = tpu.vector_load %arg7[%get3A_286] {strides = array<i32>} : memref<5632xf32, #tpu.memory_space<vmem>>, vector<16xf32>,
      %sub3A_288 = arith.subf %get3A_283, %gather3A : vector<16xf32>
      %mul3A_289 = arith.mulf %sub3A_288, %div3A_54 : vector<16xf32>
      %convert_element_type3A_290 = arith.fptosi %mul3A_289 : vector<16xf32> to vector<16xi32>
      %jit3A_291 = arith.constant 0 : i32
      %jit3A_292 = arith.constant 799 : i32
      %max3A_293 = vector.broadcast %jit3A_291 : i32 to vector<16xi32>
      %max3A_294 = arith.maxsi %max3A_293, %convert_element_type3A_290 : vector<16xi32>
      %min3A_295 = vector.broadcast %jit3A_292 : i32 to vector<16xi32>
      %min3A_296 = arith.minsi %min3A_295, %max3A_294 : vector<16xi32>
      %add3A_297 = arith.addi %broadcast_in_dim3A, %min3A_296 : vector<16xi32>
      %gather3A_298 = tpu.vector_load_idx %arg8[%add3A_297] : memref<8010xf32, #tpu.memory_space<vmem>>[vector<16xi32>], vector<16xf32>,
      %add3A_299 = arith.addi %broadcast_in_dim3A, %min3A_296 : vector<16xi32>
      %add3A_300 = arith.constant 1 : i32
      %add3A_301 = vector.broadcast %add3A_300 : i32 to vector<16xi32>
      %add3A_302 = arith.addi %add3A_299, %add3A_301 : vector<16xi32>
      %gather3A_303 = tpu.vector_load_idx %arg8[%add3A_302] : memref<8010xf32, #tpu.memory_space<vmem>>[vector<16xi32>], vector<16xf32>,
      %ge3A_304 = arith.cmpf oge, %get3A_283, %gather3A_303 : vector<16xf32>
      %convert_element_type3A_305 = arith.extui %ge3A_304 : vector<16xi1> to vector<16xi32>
      %add3A_306 = arith.addi %min3A_296, %convert_element_type3A_305 : vector<16xi32>
      %lt3A_307 = arith.cmpf olt, %get3A_283, %gather3A_298 : vector<16xf32>
      %convert_element_type3A_308 = arith.extui %lt3A_307 : vector<16xi1> to vector<16xi32>
      %sub3A_309 = arith.subi %add3A_306, %convert_element_type3A_308 : vector<16xi32>
      %jit3A_310 = arith.constant 0 : i32
      %jit3A_311 = arith.constant 799 : i32
      %max3A_312 = vector.broadcast %jit3A_310 : i32 to vector<16xi32>
      %max3A_313 = arith.maxsi %max3A_312, %sub3A_309 : vector<16xi32>
      %min3A_314 = vector.broadcast %jit3A_311 : i32 to vector<16xi32>
      %min3A_315 = arith.minsi %min3A_314, %max3A_313 : vector<16xi32>
      %mul3A_316 = arith.constant 1600 : i32
      %mul3A_317 = vector.broadcast %mul3A_316 : i32 to vector<16xi32>
      %mul3A_318 = arith.muli %iota3A, %mul3A_317 : vector<16xi32>
      %convert_element_type3A_319 = arith.fptosi %get3A_287 : vector<16xf32> to vector<16xi32>
      %mul3A_320 = arith.constant 800 : i32
      %mul3A_321 = vector.broadcast %mul3A_320 : i32 to vector<16xi32>
      %mul3A_322 = arith.muli %convert_element_type3A_319, %mul3A_321 : vector<16xi32>
      %add3A_323 = arith.addi %mul3A_318, %mul3A_322 : vector<16xi32>
      %add3A_324 = arith.addi %add3A_323, %min3A_315 : vector<16xi32>
      tpu.vector_store_idx %arg9[%add3A_324], %broadcast_in_dim3A_56 {add = true} : memref<25600xf32, #tpu.memory_space<vmem>>[vector<16xi32>], vector<16xf32>,
      %mul3A_325 = arith.constant 8 : i32
      %mul3A_326 = arith.muli %while3A_81, %mul3A_325 : i32
      %add3A_327 = arith.constant 5 : i32
      %add3A_328 = arith.addi %mul3A_326, %add3A_327 : i32
      %mul3A_329 = arith.constant 16 : i32
      %mul3A_330 = arith.muli %add3A_328, %mul3A_329 : i32
      %get3A_331 = arith.index_cast %mul3A_330 : i32 to index
      %get3A_332 = tpu.vector_load %arg6[%get3A_331] {strides = array<i32>} : memref<5632xf32, #tpu.memory_space<vmem>>, vector<16xf32>,
      %mul3A_333 = arith.constant 16 : i32
      %mul3A_334 = arith.muli %add3A_328, %mul3A_333 : i32
      %get3A_335 = arith.index_cast %mul3A_334 : i32 to index
      %get3A_336 = tpu.vector_load %arg7[%get3A_335] {strides = array<i32>} : memref<5632xf32, #tpu.memory_space<vmem>>, vector<16xf32>,
      %sub3A_337 = arith.subf %get3A_332, %gather3A : vector<16xf32>
      %mul3A_338 = arith.mulf %sub3A_337, %div3A_54 : vector<16xf32>
      %convert_element_type3A_339 = arith.fptosi %mul3A_338 : vector<16xf32> to vector<16xi32>
      %jit3A_340 = arith.constant 0 : i32
      %jit3A_341 = arith.constant 799 : i32
      %max3A_342 = vector.broadcast %jit3A_340 : i32 to vector<16xi32>
      %max3A_343 = arith.maxsi %max3A_342, %convert_element_type3A_339 : vector<16xi32>
      %min3A_344 = vector.broadcast %jit3A_341 : i32 to vector<16xi32>
      %min3A_345 = arith.minsi %min3A_344, %max3A_343 : vector<16xi32>
      %add3A_346 = arith.addi %broadcast_in_dim3A, %min3A_345 : vector<16xi32>
      %gather3A_347 = tpu.vector_load_idx %arg8[%add3A_346] : memref<8010xf32, #tpu.memory_space<vmem>>[vector<16xi32>], vector<16xf32>,
      %add3A_348 = arith.addi %broadcast_in_dim3A, %min3A_345 : vector<16xi32>
      %add3A_349 = arith.constant 1 : i32
      %add3A_350 = vector.broadcast %add3A_349 : i32 to vector<16xi32>
      %add3A_351 = arith.addi %add3A_348, %add3A_350 : vector<16xi32>
      %gather3A_352 = tpu.vector_load_idx %arg8[%add3A_351] : memref<8010xf32, #tpu.memory_space<vmem>>[vector<16xi32>], vector<16xf32>,
      %ge3A_353 = arith.cmpf oge, %get3A_332, %gather3A_352 : vector<16xf32>
      %convert_element_type3A_354 = arith.extui %ge3A_353 : vector<16xi1> to vector<16xi32>
      %add3A_355 = arith.addi %min3A_345, %convert_element_type3A_354 : vector<16xi32>
      %lt3A_356 = arith.cmpf olt, %get3A_332, %gather3A_347 : vector<16xf32>
      %convert_element_type3A_357 = arith.extui %lt3A_356 : vector<16xi1> to vector<16xi32>
      %sub3A_358 = arith.subi %add3A_355, %convert_element_type3A_357 : vector<16xi32>
      %jit3A_359 = arith.constant 0 : i32
      %jit3A_360 = arith.constant 799 : i32
      %max3A_361 = vector.broadcast %jit3A_359 : i32 to vector<16xi32>
      %max3A_362 = arith.maxsi %max3A_361, %sub3A_358 : vector<16xi32>
      %min3A_363 = vector.broadcast %jit3A_360 : i32 to vector<16xi32>
      %min3A_364 = arith.minsi %min3A_363, %max3A_362 : vector<16xi32>
      %mul3A_365 = arith.constant 1600 : i32
      %mul3A_366 = vector.broadcast %mul3A_365 : i32 to vector<16xi32>
      %mul3A_367 = arith.muli %iota3A, %mul3A_366 : vector<16xi32>
      %convert_element_type3A_368 = arith.fptosi %get3A_336 : vector<16xf32> to vector<16xi32>
      %mul3A_369 = arith.constant 800 : i32
      %mul3A_370 = vector.broadcast %mul3A_369 : i32 to vector<16xi32>
      %mul3A_371 = arith.muli %convert_element_type3A_368, %mul3A_370 : vector<16xi32>
      %add3A_372 = arith.addi %mul3A_367, %mul3A_371 : vector<16xi32>
      %add3A_373 = arith.addi %add3A_372, %min3A_364 : vector<16xi32>
      tpu.vector_store_idx %arg9[%add3A_373], %broadcast_in_dim3A_56 {add = true} : memref<25600xf32, #tpu.memory_space<vmem>>[vector<16xi32>], vector<16xf32>,
      %mul3A_374 = arith.constant 8 : i32
      %mul3A_375 = arith.muli %while3A_81, %mul3A_374 : i32
      %add3A_376 = arith.constant 6 : i32
      %add3A_377 = arith.addi %mul3A_375, %add3A_376 : i32
      %mul3A_378 = arith.constant 16 : i32
      %mul3A_379 = arith.muli %add3A_377, %mul3A_378 : i32
      %get3A_380 = arith.index_cast %mul3A_379 : i32 to index
      %get3A_381 = tpu.vector_load %arg6[%get3A_380] {strides = array<i32>} : memref<5632xf32, #tpu.memory_space<vmem>>, vector<16xf32>,
      %mul3A_382 = arith.constant 16 : i32
      %mul3A_383 = arith.muli %add3A_377, %mul3A_382 : i32
      %get3A_384 = arith.index_cast %mul3A_383 : i32 to index
      %get3A_385 = tpu.vector_load %arg7[%get3A_384] {strides = array<i32>} : memref<5632xf32, #tpu.memory_space<vmem>>, vector<16xf32>,
      %sub3A_386 = arith.subf %get3A_381, %gather3A : vector<16xf32>
      %mul3A_387 = arith.mulf %sub3A_386, %div3A_54 : vector<16xf32>
      %convert_element_type3A_388 = arith.fptosi %mul3A_387 : vector<16xf32> to vector<16xi32>
      %jit3A_389 = arith.constant 0 : i32
      %jit3A_390 = arith.constant 799 : i32
      %max3A_391 = vector.broadcast %jit3A_389 : i32 to vector<16xi32>
      %max3A_392 = arith.maxsi %max3A_391, %convert_element_type3A_388 : vector<16xi32>
      %min3A_393 = vector.broadcast %jit3A_390 : i32 to vector<16xi32>
      %min3A_394 = arith.minsi %min3A_393, %max3A_392 : vector<16xi32>
      %add3A_395 = arith.addi %broadcast_in_dim3A, %min3A_394 : vector<16xi32>
      %gather3A_396 = tpu.vector_load_idx %arg8[%add3A_395] : memref<8010xf32, #tpu.memory_space<vmem>>[vector<16xi32>], vector<16xf32>,
      %add3A_397 = arith.addi %broadcast_in_dim3A, %min3A_394 : vector<16xi32>
      %add3A_398 = arith.constant 1 : i32
      %add3A_399 = vector.broadcast %add3A_398 : i32 to vector<16xi32>
      %add3A_400 = arith.addi %add3A_397, %add3A_399 : vector<16xi32>
      %gather3A_401 = tpu.vector_load_idx %arg8[%add3A_400] : memref<8010xf32, #tpu.memory_space<vmem>>[vector<16xi32>], vector<16xf32>,
      %ge3A_402 = arith.cmpf oge, %get3A_381, %gather3A_401 : vector<16xf32>
      %convert_element_type3A_403 = arith.extui %ge3A_402 : vector<16xi1> to vector<16xi32>
      %add3A_404 = arith.addi %min3A_394, %convert_element_type3A_403 : vector<16xi32>
      %lt3A_405 = arith.cmpf olt, %get3A_381, %gather3A_396 : vector<16xf32>
      %convert_element_type3A_406 = arith.extui %lt3A_405 : vector<16xi1> to vector<16xi32>
      %sub3A_407 = arith.subi %add3A_404, %convert_element_type3A_406 : vector<16xi32>
      %jit3A_408 = arith.constant 0 : i32
      %jit3A_409 = arith.constant 799 : i32
      %max3A_410 = vector.broadcast %jit3A_408 : i32 to vector<16xi32>
      %max3A_411 = arith.maxsi %max3A_410, %sub3A_407 : vector<16xi32>
      %min3A_412 = vector.broadcast %jit3A_409 : i32 to vector<16xi32>
      %min3A_413 = arith.minsi %min3A_412, %max3A_411 : vector<16xi32>
      %mul3A_414 = arith.constant 1600 : i32
      %mul3A_415 = vector.broadcast %mul3A_414 : i32 to vector<16xi32>
      %mul3A_416 = arith.muli %iota3A, %mul3A_415 : vector<16xi32>
      %convert_element_type3A_417 = arith.fptosi %get3A_385 : vector<16xf32> to vector<16xi32>
      %mul3A_418 = arith.constant 800 : i32
      %mul3A_419 = vector.broadcast %mul3A_418 : i32 to vector<16xi32>
      %mul3A_420 = arith.muli %convert_element_type3A_417, %mul3A_419 : vector<16xi32>
      %add3A_421 = arith.addi %mul3A_416, %mul3A_420 : vector<16xi32>
      %add3A_422 = arith.addi %add3A_421, %min3A_413 : vector<16xi32>
      tpu.vector_store_idx %arg9[%add3A_422], %broadcast_in_dim3A_56 {add = true} : memref<25600xf32, #tpu.memory_space<vmem>>[vector<16xi32>], vector<16xf32>,
      %mul3A_423 = arith.constant 8 : i32
      %mul3A_424 = arith.muli %while3A_81, %mul3A_423 : i32
      %add3A_425 = arith.constant 7 : i32
      %add3A_426 = arith.addi %mul3A_424, %add3A_425 : i32
      %mul3A_427 = arith.constant 16 : i32
      %mul3A_428 = arith.muli %add3A_426, %mul3A_427 : i32
      %get3A_429 = arith.index_cast %mul3A_428 : i32 to index
      %get3A_430 = tpu.vector_load %arg6[%get3A_429] {strides = array<i32>} : memref<5632xf32, #tpu.memory_space<vmem>>, vector<16xf32>,
      %mul3A_431 = arith.constant 16 : i32
      %mul3A_432 = arith.muli %add3A_426, %mul3A_431 : i32
      %get3A_433 = arith.index_cast %mul3A_432 : i32 to index
      %get3A_434 = tpu.vector_load %arg7[%get3A_433] {strides = array<i32>} : memref<5632xf32, #tpu.memory_space<vmem>>, vector<16xf32>,
      %sub3A_435 = arith.subf %get3A_430, %gather3A : vector<16xf32>
      %mul3A_436 = arith.mulf %sub3A_435, %div3A_54 : vector<16xf32>
      %convert_element_type3A_437 = arith.fptosi %mul3A_436 : vector<16xf32> to vector<16xi32>
      %jit3A_438 = arith.constant 0 : i32
      %jit3A_439 = arith.constant 799 : i32
      %max3A_440 = vector.broadcast %jit3A_438 : i32 to vector<16xi32>
      %max3A_441 = arith.maxsi %max3A_440, %convert_element_type3A_437 : vector<16xi32>
      %min3A_442 = vector.broadcast %jit3A_439 : i32 to vector<16xi32>
      %min3A_443 = arith.minsi %min3A_442, %max3A_441 : vector<16xi32>
      %add3A_444 = arith.addi %broadcast_in_dim3A, %min3A_443 : vector<16xi32>
      %gather3A_445 = tpu.vector_load_idx %arg8[%add3A_444] : memref<8010xf32, #tpu.memory_space<vmem>>[vector<16xi32>], vector<16xf32>,
      %add3A_446 = arith.addi %broadcast_in_dim3A, %min3A_443 : vector<16xi32>
      %add3A_447 = arith.constant 1 : i32
      %add3A_448 = vector.broadcast %add3A_447 : i32 to vector<16xi32>
      %add3A_449 = arith.addi %add3A_446, %add3A_448 : vector<16xi32>
      %gather3A_450 = tpu.vector_load_idx %arg8[%add3A_449] : memref<8010xf32, #tpu.memory_space<vmem>>[vector<16xi32>], vector<16xf32>,
      %ge3A_451 = arith.cmpf oge, %get3A_430, %gather3A_450 : vector<16xf32>
      %convert_element_type3A_452 = arith.extui %ge3A_451 : vector<16xi1> to vector<16xi32>
      %add3A_453 = arith.addi %min3A_443, %convert_element_type3A_452 : vector<16xi32>
      %lt3A_454 = arith.cmpf olt, %get3A_430, %gather3A_445 : vector<16xf32>
      %convert_element_type3A_455 = arith.extui %lt3A_454 : vector<16xi1> to vector<16xi32>
      %sub3A_456 = arith.subi %add3A_453, %convert_element_type3A_455 : vector<16xi32>
      %jit3A_457 = arith.constant 0 : i32
      %jit3A_458 = arith.constant 799 : i32
      %max3A_459 = vector.broadcast %jit3A_457 : i32 to vector<16xi32>
      %max3A_460 = arith.maxsi %max3A_459, %sub3A_456 : vector<16xi32>
      %min3A_461 = vector.broadcast %jit3A_458 : i32 to vector<16xi32>
      %min3A_462 = arith.minsi %min3A_461, %max3A_460 : vector<16xi32>
      %mul3A_463 = arith.constant 1600 : i32
      %mul3A_464 = vector.broadcast %mul3A_463 : i32 to vector<16xi32>
      %mul3A_465 = arith.muli %iota3A, %mul3A_464 : vector<16xi32>
      %convert_element_type3A_466 = arith.fptosi %get3A_434 : vector<16xf32> to vector<16xi32>
      %mul3A_467 = arith.constant 800 : i32
      %mul3A_468 = vector.broadcast %mul3A_467 : i32 to vector<16xi32>
      %mul3A_469 = arith.muli %convert_element_type3A_466, %mul3A_468 : vector<16xi32>
      %add3A_470 = arith.addi %mul3A_465, %mul3A_469 : vector<16xi32>
      %add3A_471 = arith.addi %add3A_470, %min3A_462 : vector<16xi32>
      tpu.vector_store_idx %arg9[%add3A_471], %broadcast_in_dim3A_56 {add = true} : memref<25600xf32, #tpu.memory_space<vmem>>[vector<16xi32>], vector<16xf32>,
      %while3A_472 = arith.constant 0 : i32
      scf.yield %while3A_472 : i32
    }
    %scan3A_74 = arith.constant 0 : i32
    %scan3A_75 = arith.constant 0 : i32
    %scan3A_76 = arith.constant 50 : i32
    %scan3A_77 = arith.addi %scan3A_75, %scan3A_76 : i32
    %scan3A_78 = arith.constant 1 : i32
    %scan3A_79 = scf.for %scan3A_81 = %scan3A_75 to %scan3A_77 step %scan3A_78 iter_args(%scan3A_82 = %scan3A_74) -> (i32)  : i32 {
      %mul3A_83 = arith.constant 32 : i32
      %mul3A_84 = arith.muli %scan3A_81, %mul3A_83 : i32
      %get3A = arith.index_cast %mul3A_84 : i32 to index
      %get3A_85 = tpu.vector_load %arg9[%get3A] {strides = array<i32>} : memref<25600xf32, #tpu.memory_space<vmem>>, vector<16xf32>,
      %mul3A_86 = arith.constant 32 : i32
      %mul3A_87 = arith.muli %scan3A_81, %mul3A_86 : i32
      %add3A_88 = arith.constant 16 : i32
      %add3A_89 = arith.addi %mul3A_87, %add3A_88 : i32
      %get3A_90 = arith.index_cast %add3A_89 : i32 to index
      %get3A_91 = tpu.vector_load %arg9[%get3A_90] {strides = array<i32>} : memref<25600xf32, #tpu.memory_space<vmem>>, vector<16xf32>,
      %mul3A_92 = arith.constant 32 : i32
      %mul3A_93 = arith.muli %scan3A_81, %mul3A_92 : i32
      %add3A_94 = arith.constant 1600 : i32
      %add3A_95 = arith.addi %add3A_94, %mul3A_93 : i32
      %get3A_96 = arith.index_cast %add3A_95 : i32 to index
      %get3A_97 = tpu.vector_load %arg9[%get3A_96] {strides = array<i32>} : memref<25600xf32, #tpu.memory_space<vmem>>, vector<16xf32>,
      %add3A_98 = arith.addf %get3A_85, %get3A_97 : vector<16xf32>
      %mul3A_99 = arith.constant 32 : i32
      %mul3A_100 = arith.muli %scan3A_81, %mul3A_99 : i32
      %add3A_101 = arith.constant 1600 : i32
      %add3A_102 = arith.addi %add3A_101, %mul3A_100 : i32
      %add3A_103 = arith.constant 16 : i32
      %add3A_104 = arith.addi %add3A_102, %add3A_103 : i32
      %get3A_105 = arith.index_cast %add3A_104 : i32 to index
      %get3A_106 = tpu.vector_load %arg9[%get3A_105] {strides = array<i32>} : memref<25600xf32, #tpu.memory_space<vmem>>, vector<16xf32>,
      %add3A_107 = arith.addf %get3A_91, %get3A_106 : vector<16xf32>
      %mul3A_108 = arith.constant 32 : i32
      %mul3A_109 = arith.muli %scan3A_81, %mul3A_108 : i32
      %add3A_110 = arith.constant 3200 : i32
      %add3A_111 = arith.addi %add3A_110, %mul3A_109 : i32
      %get3A_112 = arith.index_cast %add3A_111 : i32 to index
      %get3A_113 = tpu.vector_load %arg9[%get3A_112] {strides = array<i32>} : memref<25600xf32, #tpu.memory_space<vmem>>, vector<16xf32>,
      %add3A_114 = arith.addf %add3A_98, %get3A_113 : vector<16xf32>
      %mul3A_115 = arith.constant 32 : i32
      %mul3A_116 = arith.muli %scan3A_81, %mul3A_115 : i32
      %add3A_117 = arith.constant 3200 : i32
      %add3A_118 = arith.addi %add3A_117, %mul3A_116 : i32
      %add3A_119 = arith.constant 16 : i32
      %add3A_120 = arith.addi %add3A_118, %add3A_119 : i32
      %get3A_121 = arith.index_cast %add3A_120 : i32 to index
      %get3A_122 = tpu.vector_load %arg9[%get3A_121] {strides = array<i32>} : memref<25600xf32, #tpu.memory_space<vmem>>, vector<16xf32>,
      %add3A_123 = arith.addf %add3A_107, %get3A_122 : vector<16xf32>
      %mul3A_124 = arith.constant 32 : i32
      %mul3A_125 = arith.muli %scan3A_81, %mul3A_124 : i32
      %add3A_126 = arith.constant 4800 : i32
      %add3A_127 = arith.addi %add3A_126, %mul3A_125 : i32
      %get3A_128 = arith.index_cast %add3A_127 : i32 to index
      %get3A_129 = tpu.vector_load %arg9[%get3A_128] {strides = array<i32>} : memref<25600xf32, #tpu.memory_space<vmem>>, vector<16xf32>,
      %add3A_130 = arith.addf %add3A_114, %get3A_129 : vector<16xf32>
      %mul3A_131 = arith.constant 32 : i32
      %mul3A_132 = arith.muli %scan3A_81, %mul3A_131 : i32
      %add3A_133 = arith.constant 4800 : i32
      %add3A_134 = arith.addi %add3A_133, %mul3A_132 : i32
      %add3A_135 = arith.constant 16 : i32
      %add3A_136 = arith.addi %add3A_134, %add3A_135 : i32
      %get3A_137 = arith.index_cast %add3A_136 : i32 to index
      %get3A_138 = tpu.vector_load %arg9[%get3A_137] {strides = array<i32>} : memref<25600xf32, #tpu.memory_space<vmem>>, vector<16xf32>,
      %add3A_139 = arith.addf %add3A_123, %get3A_138 : vector<16xf32>
      %mul3A_140 = arith.constant 32 : i32
      %mul3A_141 = arith.muli %scan3A_81, %mul3A_140 : i32
      %add3A_142 = arith.constant 6400 : i32
      %add3A_143 = arith.addi %add3A_142, %mul3A_141 : i32
      %get3A_144 = arith.index_cast %add3A_143 : i32 to index
      %get3A_145 = tpu.vector_load %arg9[%get3A_144] {strides = array<i32>} : memref<25600xf32, #tpu.memory_space<vmem>>, vector<16xf32>,
      %add3A_146 = arith.addf %add3A_130, %get3A_145 : vector<16xf32>
      %mul3A_147 = arith.constant 32 : i32
      %mul3A_148 = arith.muli %scan3A_81, %mul3A_147 : i32
      %add3A_149 = arith.constant 6400 : i32
      %add3A_150 = arith.addi %add3A_149, %mul3A_148 : i32
      %add3A_151 = arith.constant 16 : i32
      %add3A_152 = arith.addi %add3A_150, %add3A_151 : i32
      %get3A_153 = arith.index_cast %add3A_152 : i32 to index
      %get3A_154 = tpu.vector_load %arg9[%get3A_153] {strides = array<i32>} : memref<25600xf32, #tpu.memory_space<vmem>>, vector<16xf32>,
      %add3A_155 = arith.addf %add3A_139, %get3A_154 : vector<16xf32>
      %mul3A_156 = arith.constant 32 : i32
      %mul3A_157 = arith.muli %scan3A_81, %mul3A_156 : i32
      %add3A_158 = arith.constant 8000 : i32
      %add3A_159 = arith.addi %add3A_158, %mul3A_157 : i32
      %get3A_160 = arith.index_cast %add3A_159 : i32 to index
      %get3A_161 = tpu.vector_load %arg9[%get3A_160] {strides = array<i32>} : memref<25600xf32, #tpu.memory_space<vmem>>, vector<16xf32>,
      %add3A_162 = arith.addf %add3A_146, %get3A_161 : vector<16xf32>
      %mul3A_163 = arith.constant 32 : i32
      %mul3A_164 = arith.muli %scan3A_81, %mul3A_163 : i32
      %add3A_165 = arith.constant 8000 : i32
      %add3A_166 = arith.addi %add3A_165, %mul3A_164 : i32
      %add3A_167 = arith.constant 16 : i32
      %add3A_168 = arith.addi %add3A_166, %add3A_167 : i32
      %get3A_169 = arith.index_cast %add3A_168 : i32 to index
      %get3A_170 = tpu.vector_load %arg9[%get3A_169] {strides = array<i32>} : memref<25600xf32, #tpu.memory_space<vmem>>, vector<16xf32>,
      %add3A_171 = arith.addf %add3A_155, %get3A_170 : vector<16xf32>
      %mul3A_172 = arith.constant 32 : i32
      %mul3A_173 = arith.muli %scan3A_81, %mul3A_172 : i32
      %add3A_174 = arith.constant 9600 : i32
      %add3A_175 = arith.addi %add3A_174, %mul3A_173 : i32
      %get3A_176 = arith.index_cast %add3A_175 : i32 to index
      %get3A_177 = tpu.vector_load %arg9[%get3A_176] {strides = array<i32>} : memref<25600xf32, #tpu.memory_space<vmem>>, vector<16xf32>,
      %add3A_178 = arith.addf %add3A_162, %get3A_177 : vector<16xf32>
      %mul3A_179 = arith.constant 32 : i32
      %mul3A_180 = arith.muli %scan3A_81, %mul3A_179 : i32
      %add3A_181 = arith.constant 9600 : i32
      %add3A_182 = arith.addi %add3A_181, %mul3A_180 : i32
      %add3A_183 = arith.constant 16 : i32
      %add3A_184 = arith.addi %add3A_182, %add3A_183 : i32
      %get3A_185 = arith.index_cast %add3A_184 : i32 to index
      %get3A_186 = tpu.vector_load %arg9[%get3A_185] {strides = array<i32>} : memref<25600xf32, #tpu.memory_space<vmem>>, vector<16xf32>,
      %add3A_187 = arith.addf %add3A_171, %get3A_186 : vector<16xf32>
      %mul3A_188 = arith.constant 32 : i32
      %mul3A_189 = arith.muli %scan3A_81, %mul3A_188 : i32
      %add3A_190 = arith.constant 11200 : i32
      %add3A_191 = arith.addi %add3A_190, %mul3A_189 : i32
      %get3A_192 = arith.index_cast %add3A_191 : i32 to index
      %get3A_193 = tpu.vector_load %arg9[%get3A_192] {strides = array<i32>} : memref<25600xf32, #tpu.memory_space<vmem>>, vector<16xf32>,
      %add3A_194 = arith.addf %add3A_178, %get3A_193 : vector<16xf32>
      %mul3A_195 = arith.constant 32 : i32
      %mul3A_196 = arith.muli %scan3A_81, %mul3A_195 : i32
      %add3A_197 = arith.constant 11200 : i32
      %add3A_198 = arith.addi %add3A_197, %mul3A_196 : i32
      %add3A_199 = arith.constant 16 : i32
      %add3A_200 = arith.addi %add3A_198, %add3A_199 : i32
      %get3A_201 = arith.index_cast %add3A_200 : i32 to index
      %get3A_202 = tpu.vector_load %arg9[%get3A_201] {strides = array<i32>} : memref<25600xf32, #tpu.memory_space<vmem>>, vector<16xf32>,
      %add3A_203 = arith.addf %add3A_187, %get3A_202 : vector<16xf32>
      %mul3A_204 = arith.constant 32 : i32
      %mul3A_205 = arith.muli %scan3A_81, %mul3A_204 : i32
      %add3A_206 = arith.constant 12800 : i32
      %add3A_207 = arith.addi %add3A_206, %mul3A_205 : i32
      %get3A_208 = arith.index_cast %add3A_207 : i32 to index
      %get3A_209 = tpu.vector_load %arg9[%get3A_208] {strides = array<i32>} : memref<25600xf32, #tpu.memory_space<vmem>>, vector<16xf32>,
      %add3A_210 = arith.addf %add3A_194, %get3A_209 : vector<16xf32>
      %mul3A_211 = arith.constant 32 : i32
      %mul3A_212 = arith.muli %scan3A_81, %mul3A_211 : i32
      %add3A_213 = arith.constant 12800 : i32
      %add3A_214 = arith.addi %add3A_213, %mul3A_212 : i32
      %add3A_215 = arith.constant 16 : i32
      %add3A_216 = arith.addi %add3A_214, %add3A_215 : i32
      %get3A_217 = arith.index_cast %add3A_216 : i32 to index
      %get3A_218 = tpu.vector_load %arg9[%get3A_217] {strides = array<i32>} : memref<25600xf32, #tpu.memory_space<vmem>>, vector<16xf32>,
      %add3A_219 = arith.addf %add3A_203, %get3A_218 : vector<16xf32>
      %mul3A_220 = arith.constant 32 : i32
      %mul3A_221 = arith.muli %scan3A_81, %mul3A_220 : i32
      %add3A_222 = arith.constant 14400 : i32
      %add3A_223 = arith.addi %add3A_222, %mul3A_221 : i32
      %get3A_224 = arith.index_cast %add3A_223 : i32 to index
      %get3A_225 = tpu.vector_load %arg9[%get3A_224] {strides = array<i32>} : memref<25600xf32, #tpu.memory_space<vmem>>, vector<16xf32>,
      %add3A_226 = arith.addf %add3A_210, %get3A_225 : vector<16xf32>
      %mul3A_227 = arith.constant 32 : i32
      %mul3A_228 = arith.muli %scan3A_81, %mul3A_227 : i32
      %add3A_229 = arith.constant 14400 : i32
      %add3A_230 = arith.addi %add3A_229, %mul3A_228 : i32
      %add3A_231 = arith.constant 16 : i32
      %add3A_232 = arith.addi %add3A_230, %add3A_231 : i32
      %get3A_233 = arith.index_cast %add3A_232 : i32 to index
      %get3A_234 = tpu.vector_load %arg9[%get3A_233] {strides = array<i32>} : memref<25600xf32, #tpu.memory_space<vmem>>, vector<16xf32>,
      %add3A_235 = arith.addf %add3A_219, %get3A_234 : vector<16xf32>
      %mul3A_236 = arith.constant 32 : i32
      %mul3A_237 = arith.muli %scan3A_81, %mul3A_236 : i32
      %add3A_238 = arith.constant 16000 : i32
      %add3A_239 = arith.addi %add3A_238, %mul3A_237 : i32
      %get3A_240 = arith.index_cast %add3A_239 : i32 to index
      %get3A_241 = tpu.vector_load %arg9[%get3A_240] {strides = array<i32>} : memref<25600xf32, #tpu.memory_space<vmem>>, vector<16xf32>,
      %add3A_242 = arith.addf %add3A_226, %get3A_241 : vector<16xf32>
      %mul3A_243 = arith.constant 32 : i32
      %mul3A_244 = arith.muli %scan3A_81, %mul3A_243 : i32
      %add3A_245 = arith.constant 16000 : i32
      %add3A_246 = arith.addi %add3A_245, %mul3A_244 : i32
      %add3A_247 = arith.constant 16 : i32
      %add3A_248 = arith.addi %add3A_246, %add3A_247 : i32
      %get3A_249 = arith.index_cast %add3A_248 : i32 to index
      %get3A_250 = tpu.vector_load %arg9[%get3A_249] {strides = array<i32>} : memref<25600xf32, #tpu.memory_space<vmem>>, vector<16xf32>,
      %add3A_251 = arith.addf %add3A_235, %get3A_250 : vector<16xf32>
      %mul3A_252 = arith.constant 32 : i32
      %mul3A_253 = arith.muli %scan3A_81, %mul3A_252 : i32
      %add3A_254 = arith.constant 17600 : i32
      %add3A_255 = arith.addi %add3A_254, %mul3A_253 : i32
      %get3A_256 = arith.index_cast %add3A_255 : i32 to index
      %get3A_257 = tpu.vector_load %arg9[%get3A_256] {strides = array<i32>} : memref<25600xf32, #tpu.memory_space<vmem>>, vector<16xf32>,
      %add3A_258 = arith.addf %add3A_242, %get3A_257 : vector<16xf32>
      %mul3A_259 = arith.constant 32 : i32
      %mul3A_260 = arith.muli %scan3A_81, %mul3A_259 : i32
      %add3A_261 = arith.constant 17600 : i32
      %add3A_262 = arith.addi %add3A_261, %mul3A_260 : i32
      %add3A_263 = arith.constant 16 : i32
      %add3A_264 = arith.addi %add3A_262, %add3A_263 : i32
      %get3A_265 = arith.index_cast %add3A_264 : i32 to index
      %get3A_266 = tpu.vector_load %arg9[%get3A_265] {strides = array<i32>} : memref<25600xf32, #tpu.memory_space<vmem>>, vector<16xf32>,
      %add3A_267 = arith.addf %add3A_251, %get3A_266 : vector<16xf32>
      %mul3A_268 = arith.constant 32 : i32
      %mul3A_269 = arith.muli %scan3A_81, %mul3A_268 : i32
      %add3A_270 = arith.constant 19200 : i32
      %add3A_271 = arith.addi %add3A_270, %mul3A_269 : i32
      %get3A_272 = arith.index_cast %add3A_271 : i32 to index
      %get3A_273 = tpu.vector_load %arg9[%get3A_272] {strides = array<i32>} : memref<25600xf32, #tpu.memory_space<vmem>>, vector<16xf32>,
      %add3A_274 = arith.addf %add3A_258, %get3A_273 : vector<16xf32>
      %mul3A_275 = arith.constant 32 : i32
      %mul3A_276 = arith.muli %scan3A_81, %mul3A_275 : i32
      %add3A_277 = arith.constant 19200 : i32
      %add3A_278 = arith.addi %add3A_277, %mul3A_276 : i32
      %add3A_279 = arith.constant 16 : i32
      %add3A_280 = arith.addi %add3A_278, %add3A_279 : i32
      %get3A_281 = arith.index_cast %add3A_280 : i32 to index
      %get3A_282 = tpu.vector_load %arg9[%get3A_281] {strides = array<i32>} : memref<25600xf32, #tpu.memory_space<vmem>>, vector<16xf32>,
      %add3A_283 = arith.addf %add3A_267, %get3A_282 : vector<16xf32>
      %mul3A_284 = arith.constant 32 : i32
      %mul3A_285 = arith.muli %scan3A_81, %mul3A_284 : i32
      %add3A_286 = arith.constant 20800 : i32
      %add3A_287 = arith.addi %add3A_286, %mul3A_285 : i32
      %get3A_288 = arith.index_cast %add3A_287 : i32 to index
      %get3A_289 = tpu.vector_load %arg9[%get3A_288] {strides = array<i32>} : memref<25600xf32, #tpu.memory_space<vmem>>, vector<16xf32>,
      %add3A_290 = arith.addf %add3A_274, %get3A_289 : vector<16xf32>
      %mul3A_291 = arith.constant 32 : i32
      %mul3A_292 = arith.muli %scan3A_81, %mul3A_291 : i32
      %add3A_293 = arith.constant 20800 : i32
      %add3A_294 = arith.addi %add3A_293, %mul3A_292 : i32
      %add3A_295 = arith.constant 16 : i32
      %add3A_296 = arith.addi %add3A_294, %add3A_295 : i32
      %get3A_297 = arith.index_cast %add3A_296 : i32 to index
      %get3A_298 = tpu.vector_load %arg9[%get3A_297] {strides = array<i32>} : memref<25600xf32, #tpu.memory_space<vmem>>, vector<16xf32>,
      %add3A_299 = arith.addf %add3A_283, %get3A_298 : vector<16xf32>
      %mul3A_300 = arith.constant 32 : i32
      %mul3A_301 = arith.muli %scan3A_81, %mul3A_300 : i32
      %add3A_302 = arith.constant 22400 : i32
      %add3A_303 = arith.addi %add3A_302, %mul3A_301 : i32
      %get3A_304 = arith.index_cast %add3A_303 : i32 to index
      %get3A_305 = tpu.vector_load %arg9[%get3A_304] {strides = array<i32>} : memref<25600xf32, #tpu.memory_space<vmem>>, vector<16xf32>,
      %add3A_306 = arith.addf %add3A_290, %get3A_305 : vector<16xf32>
      %mul3A_307 = arith.constant 32 : i32
      %mul3A_308 = arith.muli %scan3A_81, %mul3A_307 : i32
      %add3A_309 = arith.constant 22400 : i32
      %add3A_310 = arith.addi %add3A_309, %mul3A_308 : i32
      %add3A_311 = arith.constant 16 : i32
      %add3A_312 = arith.addi %add3A_310, %add3A_311 : i32
      %get3A_313 = arith.index_cast %add3A_312 : i32 to index
      %get3A_314 = tpu.vector_load %arg9[%get3A_313] {strides = array<i32>} : memref<25600xf32, #tpu.memory_space<vmem>>, vector<16xf32>,
      %add3A_315 = arith.addf %add3A_299, %get3A_314 : vector<16xf32>
      %mul3A_316 = arith.constant 32 : i32
      %mul3A_317 = arith.muli %scan3A_81, %mul3A_316 : i32
      %add3A_318 = arith.constant 24000 : i32
      %add3A_319 = arith.addi %add3A_318, %mul3A_317 : i32
      %get3A_320 = arith.index_cast %add3A_319 : i32 to index
      %get3A_321 = tpu.vector_load %arg9[%get3A_320] {strides = array<i32>} : memref<25600xf32, #tpu.memory_space<vmem>>, vector<16xf32>,
      %add3A_322 = arith.addf %add3A_306, %get3A_321 : vector<16xf32>
      %mul3A_323 = arith.constant 32 : i32
      %mul3A_324 = arith.muli %scan3A_81, %mul3A_323 : i32
      %add3A_325 = arith.constant 24000 : i32
      %add3A_326 = arith.addi %add3A_325, %mul3A_324 : i32
      %add3A_327 = arith.constant 16 : i32
      %add3A_328 = arith.addi %add3A_326, %add3A_327 : i32
      %get3A_329 = arith.index_cast %add3A_328 : i32 to index
      %get3A_330 = tpu.vector_load %arg9[%get3A_329] {strides = array<i32>} : memref<25600xf32, #tpu.memory_space<vmem>>, vector<16xf32>,
      %add3A_331 = arith.addf %add3A_315, %get3A_330 : vector<16xf32>
      %mul3A_332 = arith.constant 32 : i32
      %mul3A_333 = arith.muli %scan3A_81, %mul3A_332 : i32
      %swap3A = arith.index_cast %mul3A_333 : i32 to index
      %swap3A_334 = tpu.vector_load %arg10[%swap3A] {strides = array<i32>} : memref<1600xf32, #tpu.memory_space<vmem>>, vector<16xf32>,
      tpu.vector_store %arg10[%swap3A], %add3A_322 {strides = array<i32>} : memref<1600xf32, #tpu.memory_space<vmem>>, vector<16xf32>,
      %mul3A_335 = arith.constant 32 : i32
      %mul3A_336 = arith.muli %scan3A_81, %mul3A_335 : i32
      %add3A_337 = arith.constant 16 : i32
      %add3A_338 = arith.addi %mul3A_336, %add3A_337 : i32
      %swap3A_339 = arith.index_cast %add3A_338 : i32 to index
      %swap3A_340 = tpu.vector_load %arg10[%swap3A_339] {strides = array<i32>} : memref<1600xf32, #tpu.memory_space<vmem>>, vector<16xf32>,
      tpu.vector_store %arg10[%swap3A_339], %add3A_331 {strides = array<i32>} : memref<1600xf32, #tpu.memory_space<vmem>>, vector<16xf32>,
      %scan3A_341 = arith.constant 0 : i32
      scf.yield %scan3A_341 : i32
    }
    %scan3A_80 = arith.constant 50 : i32
    "tpu.region"() ({
      %run_scoped3A = tpu.sem_alloc : memref<!tpu.dma_semaphore, #tpu.memory_space<semaphore_mem>>
      %dma_start3A = arith.constant 0 : i32
      %dma_start3A_81 = tpu.memref_slice %arg5[%add3A, %dma_start3A] : memref<32x1600xf32, #tpu.memory_space<hbm>> -> memref<1x1600xf32, #tpu.memory_space<hbm>>
      %dma_start3A_82 = tpu.memref_squeeze %dma_start3A_81 : memref<1x1600xf32, #tpu.memory_space<hbm>> -> memref<1600xf32, #tpu.memory_space<hbm>>
      %dma_start3A_83 = arith.constant 0 : i32
      %dma_start3A_84 = tpu.memref_slice %arg5[%add3A, %dma_start3A_83] : memref<32x1600xf32, #tpu.memory_space<hbm>> -> memref<1x1600xf32, #tpu.memory_space<hbm>>
      %dma_start3A_85 = tpu.memref_squeeze %dma_start3A_84 : memref<1x1600xf32, #tpu.memory_space<hbm>> -> memref<1600xf32, #tpu.memory_space<hbm>>
      tpu.enqueue_dma source(%arg10 : memref<1600xf32, #tpu.memory_space<vmem>>) target(%dma_start3A_85 : memref<1600xf32, #tpu.memory_space<hbm>>) target_semaphore(%run_scoped3A : memref<!tpu.dma_semaphore, #tpu.memory_space<semaphore_mem>>)
      %dma_wait3A = arith.constant 0 : i32
      %dma_wait3A_86 = tpu.memref_slice %arg5[%add3A, %dma_wait3A] : memref<32x1600xf32, #tpu.memory_space<hbm>> -> memref<1x1600xf32, #tpu.memory_space<hbm>>
      %dma_wait3A_87 = tpu.memref_squeeze %dma_wait3A_86 : memref<1x1600xf32, #tpu.memory_space<hbm>> -> memref<1600xf32, #tpu.memory_space<hbm>>
      %dma_wait3A_88 = arith.constant 0 : i32
      %dma_wait3A_89 = tpu.memref_slice %arg5[%add3A, %dma_wait3A_88] : memref<32x1600xf32, #tpu.memory_space<hbm>> -> memref<1x1600xf32, #tpu.memory_space<hbm>>
      %dma_wait3A_90 = tpu.memref_squeeze %dma_wait3A_89 : memref<1x1600xf32, #tpu.memory_space<hbm>> -> memref<1600xf32, #tpu.memory_space<hbm>>
      tpu.wait_dma2 semaphore(%run_scoped3A : memref<!tpu.dma_semaphore, #tpu.memory_space<semaphore_mem>>) src(%arg10 : memref<1600xf32, #tpu.memory_space<vmem>>) dst(%dma_wait3A_90 : memref<1600xf32, #tpu.memory_space<hbm>>)
      tpu.yield
    }) : () -> ()
    return
  }
}

module attributes {stable_mosaic.version = 14 : i64} {
  func.func @_minmax_kernel(%arg0: memref<16384x10xf32, #tpu.memory_space<vmem>>, %arg1: memref<2x128xf32, #tpu.memory_space<vmem>>) attributes {dimension_semantics = [], scalar_prefetch = 0 : i64, scratch_operands = 0 : i64, tpu.core_type = #tpu.core_type<tc>} {
    %get3A = arith.constant 0 : index
    %get3A_0 = arith.constant 0 : index
    %get3A_1 = vector.load %arg0[%get3A, %get3A_0] : memref<16384x10xf32, #tpu.memory_space<vmem>>, vector<16384x10xf32>
    %reduce_min3A = arith.constant dense<0x7F800000> : vector<10xf32>
    %reduce_min3A_2 = vector.multi_reduction <minimumf>, %get3A_1, %reduce_min3A [0] : vector<16384x10xf32> to vector<10xf32>
    %broadcast_in_dim3A = vector.shape_cast %reduce_min3A_2 : vector<10xf32> to vector<1x10xf32>
    %swap3A = arith.constant 0 : index
    %swap3A_3 = arith.constant 0 : index
    %swap3A_4 = vector.load %arg1[%swap3A, %swap3A_3] : memref<2x128xf32, #tpu.memory_space<vmem>>, vector<1x10xf32>
    tpu.vector_store %arg1[%swap3A, %swap3A_3], %broadcast_in_dim3A {strides = array<i32>} : memref<2x128xf32, #tpu.memory_space<vmem>>, vector<1x10xf32>,
    %reduce_max3A = arith.constant dense<0xFF800000> : vector<10xf32>
    %reduce_max3A_5 = vector.multi_reduction <maximumf>, %get3A_1, %reduce_max3A [0] : vector<16384x10xf32> to vector<10xf32>
    %broadcast_in_dim3A_6 = vector.shape_cast %reduce_max3A_5 : vector<10xf32> to vector<1x10xf32>
    %swap3A_7 = arith.constant 1 : index
    %swap3A_8 = arith.constant 0 : index
    %swap3A_9 = vector.load %arg1[%swap3A_7, %swap3A_8] : memref<2x128xf32, #tpu.memory_space<vmem>>, vector<1x10xf32>
    tpu.vector_store %arg1[%swap3A_7, %swap3A_8], %broadcast_in_dim3A_6 {strides = array<i32>} : memref<2x128xf32, #tpu.memory_space<vmem>>, vector<1x10xf32>,
    return
  }
}

module attributes {stable_mosaic.version = 14 : i64} {
  func.func @_stats_kernel(%arg0: i32, %arg1: memref<4096x168xf32, #tpu.memory_space<vmem>>, %arg2: memref<4096x168xf32, #tpu.memory_space<vmem>>, %arg3: memref<1x4096xf32, #tpu.memory_space<vmem>>, %arg4: memref<168x17xf32, #tpu.memory_space<vmem>>, %arg5: memref<1x168xf32, #tpu.memory_space<vmem>>, %arg6: memref<1x168xf32, #tpu.memory_space<vmem>>, %arg7: memref<32x1600xf32, #tpu.memory_space<vmem>>, %arg8: memref<1x128xf32, #tpu.memory_space<vmem>>, %arg9: memref<4xf32, #tpu.memory_space<smem>>) attributes {dimension_semantics = [#tpu.dimension_semantics<arbitrary>], iteration_bounds = array<i64: 4>, scalar_prefetch = 0 : i64, scratch_operands = 1 : i64, tpu.core_type = #tpu.core_type<tc>, window_params = [{transform_indices = @transform_0, window_bounds = array<i64: 4096, 168>}, {transform_indices = @transform_1, window_bounds = array<i64: 4096, 168>}, {transform_indices = @transform_2, window_bounds = array<i64: 1, 4096>}, {pipeline_mode = #tpu.pipeline_mode<synchronous>, transform_indices = @transform_3, window_bounds = array<i64: 168, 17>}, {pipeline_mode = #tpu.pipeline_mode<synchronous>, transform_indices = @transform_4, window_bounds = array<i64: 1, 168>}, {pipeline_mode = #tpu.pipeline_mode<synchronous>, transform_indices = @transform_5, window_bounds = array<i64: 1, 168>}, {pipeline_mode = #tpu.pipeline_mode<synchronous>, transform_indices = @transform_6, window_bounds = array<i64: 32, 1600>}, {pipeline_mode = #tpu.pipeline_mode<synchronous>, transform_indices = @transform_7, window_bounds = array<i64: 1, 128>}]} {
    %eq3A = arith.constant 0 : i32
    %eq3A_0 = arith.cmpi eq, %arg0, %eq3A : i32
    %convert_element_type3A = arith.extui %eq3A_0 : i1 to i32
    %cond3A = arith.constant 0 : i32
    %cond3A_1 = arith.cmpi ne, %convert_element_type3A, %cond3A : i32
    scf.if %cond3A_1 {
      %swap3A_63 = arith.constant 0.000000e+00 : f32
      %swap3A_64 = arith.constant 0 : index
      %swap3A_65 = memref.load %arg9[%swap3A_64] : memref<4xf32, #tpu.memory_space<smem>>
      memref.store %swap3A_63, %arg9[%swap3A_64] : memref<4xf32, #tpu.memory_space<smem>>
      %swap3A_66 = arith.constant 0.000000e+00 : f32
      %swap3A_67 = arith.constant 1 : index
      %swap3A_68 = memref.load %arg9[%swap3A_67] : memref<4xf32, #tpu.memory_space<smem>>
      memref.store %swap3A_66, %arg9[%swap3A_67] : memref<4xf32, #tpu.memory_space<smem>>
      %swap3A_69 = arith.constant 0.000000e+00 : f32
      %swap3A_70 = arith.constant 2 : index
      %swap3A_71 = memref.load %arg9[%swap3A_70] : memref<4xf32, #tpu.memory_space<smem>>
      memref.store %swap3A_69, %arg9[%swap3A_70] : memref<4xf32, #tpu.memory_space<smem>>
    } else {
    }
    %get3A = arith.constant 0 : index
    %get3A_2 = arith.constant 0 : index
    %get3A_3 = vector.load %arg1[%get3A, %get3A_2] : memref<4096x168xf32, #tpu.memory_space<vmem>>, vector<4096x168xf32>
    %get3A_4 = arith.constant 0 : index
    %get3A_5 = arith.constant 0 : index
    %get3A_6 = vector.load %arg2[%get3A_4, %get3A_5] : memref<4096x168xf32, #tpu.memory_space<vmem>>, vector<4096x168xf32>
    %sub3A = arith.subf %get3A_3, %get3A_6 : vector<4096x168xf32>
    %mul3A = arith.mulf %sub3A, %sub3A : vector<4096x168xf32>
    %get3A_7 = arith.constant 0 : index
    %get3A_8 = arith.constant 0 : index
    %get3A_9 = vector.load %arg5[%get3A_7, %get3A_8] : memref<1x168xf32, #tpu.memory_space<vmem>>, vector<1x168xf32>
    %mul3A_10 = vector.broadcast %get3A_9 : vector<1x168xf32> to vector<4096x168xf32>
    %mul3A_11 = arith.mulf %mul3A, %mul3A_10 : vector<4096x168xf32>
    %reduce_sum3A = vector.shape_cast %mul3A_11 : vector<4096x168xf32> to vector<1x4096x168xf32>
    %reduce_sum3A_12 = arith.constant dense<0.000000e+00> : vector<1xf32>
    %reduce_sum3A_13 = vector.multi_reduction <add>, %reduce_sum3A, %reduce_sum3A_12 [1, 2] : vector<1x4096x168xf32> to vector<1xf32>
    %reduce_sum3A_14 = vector.shape_cast %reduce_sum3A_13 : vector<1xf32> to vector<1x1x1xf32>
    %reduce_sum3A_15 = vector.extract %reduce_sum3A_14[0, 0, 0] : f32 from vector<1x1x1xf32>
    %exp3A = math.exp %get3A_3 : vector<4096x168xf32>
    %get3A_16 = arith.constant 0 : index
    %get3A_17 = arith.constant 0 : index
    %get3A_18 = vector.load %arg4[%get3A_16, %get3A_17] : memref<168x17xf32, #tpu.memory_space<vmem>>, vector<168x17xf32>
    %dot_general3A = arith.constant dense<0.000000e+00> : vector<4096x17xf32>
    %dot_general3A_19 = tpu.matmul %exp3A, %get3A_18, %dot_general3A {dimension_numbers = #tpu.dot_dimension_numbers<[1], [0], [0], [1], [0, 0, 1, 1], [], []>, transpose_lhs_hint = false} : vector<4096x168xf32>, vector<168x17xf32>, vector<4096x17xf32> -> vector<4096x17xf32>
    %log3A = math.log %dot_general3A_19 : vector<4096x17xf32>
    %reduce_sum3A_20 = vector.shape_cast %log3A : vector<4096x17xf32> to vector<1x4096x17xf32>
    %reduce_sum3A_21 = arith.constant dense<0.000000e+00> : vector<1xf32>
    %reduce_sum3A_22 = vector.multi_reduction <add>, %reduce_sum3A_20, %reduce_sum3A_21 [1, 2] : vector<1x4096x17xf32> to vector<1xf32>
    %reduce_sum3A_23 = vector.shape_cast %reduce_sum3A_22 : vector<1xf32> to vector<1x1x1xf32>
    %reduce_sum3A_24 = vector.extract %reduce_sum3A_23[0, 0, 0] : f32 from vector<1x1x1xf32>
    %mul3A_25 = arith.mulf %get3A_3, %get3A_6 : vector<4096x168xf32>
    %get3A_26 = arith.constant 0 : index
    %get3A_27 = arith.constant 0 : index
    %get3A_28 = vector.load %arg6[%get3A_26, %get3A_27] : memref<1x168xf32, #tpu.memory_space<vmem>>, vector<1x168xf32>
    %mul3A_29 = vector.broadcast %get3A_28 : vector<1x168xf32> to vector<4096x168xf32>
    %mul3A_30 = arith.mulf %mul3A_25, %mul3A_29 : vector<4096x168xf32>
    %reduce_sum3A_31 = vector.shape_cast %mul3A_30 : vector<4096x168xf32> to vector<1x4096x168xf32>
    %reduce_sum3A_32 = arith.constant dense<0.000000e+00> : vector<1xf32>
    %reduce_sum3A_33 = vector.multi_reduction <add>, %reduce_sum3A_31, %reduce_sum3A_32 [1, 2] : vector<1x4096x168xf32> to vector<1xf32>
    %reduce_sum3A_34 = vector.shape_cast %reduce_sum3A_33 : vector<1xf32> to vector<1x1x1xf32>
    %reduce_sum3A_35 = vector.extract %reduce_sum3A_34[0, 0, 0] : f32 from vector<1x1x1xf32>
    %sub3A_36 = arith.subf %reduce_sum3A_24, %reduce_sum3A_35 : f32
    %get3A_37 = arith.constant 0 : index
    %get3A_38 = memref.load %arg9[%get3A_37] : memref<4xf32, #tpu.memory_space<smem>>
    %add3A = arith.addf %get3A_38, %reduce_sum3A_15 : f32
    %swap3A = arith.constant 0 : index
    %swap3A_39 = memref.load %arg9[%swap3A] : memref<4xf32, #tpu.memory_space<smem>>
    memref.store %add3A, %arg9[%swap3A] : memref<4xf32, #tpu.memory_space<smem>>
    %get3A_40 = arith.constant 1 : index
    %get3A_41 = memref.load %arg9[%get3A_40] : memref<4xf32, #tpu.memory_space<smem>>
    %add3A_42 = arith.addf %get3A_41, %sub3A_36 : f32
    %swap3A_43 = arith.constant 1 : index
    %swap3A_44 = memref.load %arg9[%swap3A_43] : memref<4xf32, #tpu.memory_space<smem>>
    memref.store %add3A_42, %arg9[%swap3A_43] : memref<4xf32, #tpu.memory_space<smem>>
    %get3A_45 = arith.constant 2 : index
    %get3A_46 = memref.load %arg9[%get3A_45] : memref<4xf32, #tpu.memory_space<smem>>
    %get3A_47 = arith.constant 0 : index
    %get3A_48 = arith.constant 0 : index
    %get3A_49 = vector.load %arg3[%get3A_47, %get3A_48] : memref<1x4096xf32, #tpu.memory_space<vmem>>, vector<1x4096xf32>
    %reduce_sum3A_50 = vector.shape_cast %get3A_49 : vector<1x4096xf32> to vector<1x1x4096xf32>
    %reduce_sum3A_51 = arith.constant dense<0.000000e+00> : vector<1xf32>
    %reduce_sum3A_52 = vector.multi_reduction <add>, %reduce_sum3A_50, %reduce_sum3A_51 [1, 2] : vector<1x1x4096xf32> to vector<1xf32>
    %reduce_sum3A_53 = vector.shape_cast %reduce_sum3A_52 : vector<1xf32> to vector<1x1x1xf32>
    %reduce_sum3A_54 = vector.extract %reduce_sum3A_53[0, 0, 0] : f32 from vector<1x1x1xf32>
    %add3A_55 = arith.addf %get3A_46, %reduce_sum3A_54 : f32
    %swap3A_56 = arith.constant 2 : index
    %swap3A_57 = memref.load %arg9[%swap3A_56] : memref<4xf32, #tpu.memory_space<smem>>
    memref.store %add3A_55, %arg9[%swap3A_56] : memref<4xf32, #tpu.memory_space<smem>>
    %eq3A_58 = arith.constant 3 : i32
    %eq3A_59 = arith.cmpi eq, %arg0, %eq3A_58 : i32
    %convert_element_type3A_60 = arith.extui %eq3A_59 : i1 to i32
    %cond3A_61 = arith.constant 0 : i32
    %cond3A_62 = arith.cmpi ne, %convert_element_type3A_60, %cond3A_61 : i32
    scf.if %cond3A_62 {
      %get3A_63 = arith.constant 2 : index
      %get3A_64 = memref.load %arg9[%get3A_63] : memref<4xf32, #tpu.memory_space<smem>>
      %sub3A_65 = arith.constant 1.638400e+04 : f32
      %sub3A_66 = arith.subf %sub3A_65, %get3A_64 : f32
      %get3A_67 = arith.constant 0 : index
      %get3A_68 = arith.constant 0 : index
      %get3A_69 = vector.load %arg7[%get3A_67, %get3A_68] : memref<32x1600xf32, #tpu.memory_space<vmem>>, vector<1x1600xf32>
      %get3A_70 = arith.constant 10 : index
      %get3A_71 = arith.constant 0 : index
      %get3A_72 = vector.load %arg7[%get3A_70, %get3A_71] : memref<32x1600xf32, #tpu.memory_space<vmem>>, vector<1x1600xf32>
      %add3A_73 = arith.addf %get3A_69, %get3A_72 : vector<1x1600xf32>
      %get3A_74 = arith.constant 20 : index
      %get3A_75 = arith.constant 0 : index
      %get3A_76 = vector.load %arg7[%get3A_74, %get3A_75] : memref<32x1600xf32, #tpu.memory_space<vmem>>, vector<1x1600xf32>
      %add3A_77 = arith.addf %add3A_73, %get3A_76 : vector<1x1600xf32>
      %slice3A = vector.extract_strided_slice %add3A_77 {offsets = [0, 0], sizes = [1, 800], strides = [1, 1]} : vector<1x1600xf32> to vector<1x800xf32>
      %div3A = vector.broadcast %sub3A_66 : f32 to vector<1x800xf32>
      %div3A_78 = arith.divf %slice3A, %div3A : vector<1x800xf32>
      %slice3A_79 = vector.extract_strided_slice %add3A_77 {offsets = [0, 800], sizes = [1, 800], strides = [1, 1]} : vector<1x1600xf32> to vector<1x800xf32>
      %div3A_80 = vector.broadcast %get3A_64 : f32 to vector<1x800xf32>
      %div3A_81 = arith.divf %slice3A_79, %div3A_80 : vector<1x800xf32>
      %add3A_82 = arith.addf %div3A_78, %div3A_81 : vector<1x800xf32>
      %mul3A_83 = arith.constant 5.000000e-01 : f32
      %mul3A_84 = vector.broadcast %mul3A_83 : f32 to vector<1x800xf32>
      %mul3A_85 = arith.mulf %mul3A_84, %add3A_82 : vector<1x800xf32>
      %add3A_86 = arith.constant 1.000000e-10 : f32
      %add3A_87 = vector.broadcast %add3A_86 : f32 to vector<1x800xf32>
      %add3A_88 = arith.addf %div3A_78, %add3A_87 : vector<1x800xf32>
      %add3A_89 = arith.constant 1.000000e-10 : f32
      %add3A_90 = vector.broadcast %add3A_89 : f32 to vector<1x800xf32>
      %add3A_91 = arith.addf %mul3A_85, %add3A_90 : vector<1x800xf32>
      %div3A_92 = arith.divf %add3A_88, %add3A_91 : vector<1x800xf32>
      %log3A_93 = math.log %div3A_92 : vector<1x800xf32>
      %mul3A_94 = arith.mulf %div3A_78, %log3A_93 : vector<1x800xf32>
      %reduce_sum3A_95 = vector.shape_cast %mul3A_94 : vector<1x800xf32> to vector<1x1x800xf32>
      %reduce_sum3A_96 = arith.constant dense<0.000000e+00> : vector<1xf32>
      %reduce_sum3A_97 = vector.multi_reduction <add>, %reduce_sum3A_95, %reduce_sum3A_96 [1, 2] : vector<1x1x800xf32> to vector<1xf32>
      %reduce_sum3A_98 = vector.shape_cast %reduce_sum3A_97 : vector<1xf32> to vector<1x1x1xf32>
      %reduce_sum3A_99 = vector.extract %reduce_sum3A_98[0, 0, 0] : f32 from vector<1x1x1xf32>
      %add3A_100 = arith.constant 0.000000e+00 : f32
      %add3A_101 = arith.addf %add3A_100, %reduce_sum3A_99 : f32
      %add3A_102 = arith.constant 1.000000e-10 : f32
      %add3A_103 = vector.broadcast %add3A_102 : f32 to vector<1x800xf32>
      %add3A_104 = arith.addf %div3A_81, %add3A_103 : vector<1x800xf32>
      %add3A_105 = arith.constant 1.000000e-10 : f32
      %add3A_106 = vector.broadcast %add3A_105 : f32 to vector<1x800xf32>
      %add3A_107 = arith.addf %mul3A_85, %add3A_106 : vector<1x800xf32>
      %div3A_108 = arith.divf %add3A_104, %add3A_107 : vector<1x800xf32>
      %log3A_109 = math.log %div3A_108 : vector<1x800xf32>
      %mul3A_110 = arith.mulf %div3A_81, %log3A_109 : vector<1x800xf32>
      %reduce_sum3A_111 = vector.shape_cast %mul3A_110 : vector<1x800xf32> to vector<1x1x800xf32>
      %reduce_sum3A_112 = arith.constant dense<0.000000e+00> : vector<1xf32>
      %reduce_sum3A_113 = vector.multi_reduction <add>, %reduce_sum3A_111, %reduce_sum3A_112 [1, 2] : vector<1x1x800xf32> to vector<1xf32>
      %reduce_sum3A_114 = vector.shape_cast %reduce_sum3A_113 : vector<1xf32> to vector<1x1x1xf32>
      %reduce_sum3A_115 = vector.extract %reduce_sum3A_114[0, 0, 0] : f32 from vector<1x1x1xf32>
      %add3A_116 = arith.addf %add3A_101, %reduce_sum3A_115 : f32
      %get3A_117 = arith.constant 1 : index
      %get3A_118 = arith.constant 0 : index
      %get3A_119 = vector.load %arg7[%get3A_117, %get3A_118] : memref<32x1600xf32, #tpu.memory_space<vmem>>, vector<1x1600xf32>
      %get3A_120 = arith.constant 11 : index
      %get3A_121 = arith.constant 0 : index
      %get3A_122 = vector.load %arg7[%get3A_120, %get3A_121] : memref<32x1600xf32, #tpu.memory_space<vmem>>, vector<1x1600xf32>
      %add3A_123 = arith.addf %get3A_119, %get3A_122 : vector<1x1600xf32>
      %get3A_124 = arith.constant 21 : index
      %get3A_125 = arith.constant 0 : index
      %get3A_126 = vector.load %arg7[%get3A_124, %get3A_125] : memref<32x1600xf32, #tpu.memory_space<vmem>>, vector<1x1600xf32>
      %add3A_127 = arith.addf %add3A_123, %get3A_126 : vector<1x1600xf32>
      %slice3A_128 = vector.extract_strided_slice %add3A_127 {offsets = [0, 0], sizes = [1, 800], strides = [1, 1]} : vector<1x1600xf32> to vector<1x800xf32>
      %div3A_129 = vector.broadcast %sub3A_66 : f32 to vector<1x800xf32>
      %div3A_130 = arith.divf %slice3A_128, %div3A_129 : vector<1x800xf32>
      %slice3A_131 = vector.extract_strided_slice %add3A_127 {offsets = [0, 800], sizes = [1, 800], strides = [1, 1]} : vector<1x1600xf32> to vector<1x800xf32>
      %div3A_132 = vector.broadcast %get3A_64 : f32 to vector<1x800xf32>
      %div3A_133 = arith.divf %slice3A_131, %div3A_132 : vector<1x800xf32>
      %add3A_134 = arith.addf %div3A_130, %div3A_133 : vector<1x800xf32>
      %mul3A_135 = arith.constant 5.000000e-01 : f32
      %mul3A_136 = vector.broadcast %mul3A_135 : f32 to vector<1x800xf32>
      %mul3A_137 = arith.mulf %mul3A_136, %add3A_134 : vector<1x800xf32>
      %add3A_138 = arith.constant 1.000000e-10 : f32
      %add3A_139 = vector.broadcast %add3A_138 : f32 to vector<1x800xf32>
      %add3A_140 = arith.addf %div3A_130, %add3A_139 : vector<1x800xf32>
      %add3A_141 = arith.constant 1.000000e-10 : f32
      %add3A_142 = vector.broadcast %add3A_141 : f32 to vector<1x800xf32>
      %add3A_143 = arith.addf %mul3A_137, %add3A_142 : vector<1x800xf32>
      %div3A_144 = arith.divf %add3A_140, %add3A_143 : vector<1x800xf32>
      %log3A_145 = math.log %div3A_144 : vector<1x800xf32>
      %mul3A_146 = arith.mulf %div3A_130, %log3A_145 : vector<1x800xf32>
      %reduce_sum3A_147 = vector.shape_cast %mul3A_146 : vector<1x800xf32> to vector<1x1x800xf32>
      %reduce_sum3A_148 = arith.constant dense<0.000000e+00> : vector<1xf32>
      %reduce_sum3A_149 = vector.multi_reduction <add>, %reduce_sum3A_147, %reduce_sum3A_148 [1, 2] : vector<1x1x800xf32> to vector<1xf32>
      %reduce_sum3A_150 = vector.shape_cast %reduce_sum3A_149 : vector<1xf32> to vector<1x1x1xf32>
      %reduce_sum3A_151 = vector.extract %reduce_sum3A_150[0, 0, 0] : f32 from vector<1x1x1xf32>
      %add3A_152 = arith.addf %add3A_116, %reduce_sum3A_151 : f32
      %add3A_153 = arith.constant 1.000000e-10 : f32
      %add3A_154 = vector.broadcast %add3A_153 : f32 to vector<1x800xf32>
      %add3A_155 = arith.addf %div3A_133, %add3A_154 : vector<1x800xf32>
      %add3A_156 = arith.constant 1.000000e-10 : f32
      %add3A_157 = vector.broadcast %add3A_156 : f32 to vector<1x800xf32>
      %add3A_158 = arith.addf %mul3A_137, %add3A_157 : vector<1x800xf32>
      %div3A_159 = arith.divf %add3A_155, %add3A_158 : vector<1x800xf32>
      %log3A_160 = math.log %div3A_159 : vector<1x800xf32>
      %mul3A_161 = arith.mulf %div3A_133, %log3A_160 : vector<1x800xf32>
      %reduce_sum3A_162 = vector.shape_cast %mul3A_161 : vector<1x800xf32> to vector<1x1x800xf32>
      %reduce_sum3A_163 = arith.constant dense<0.000000e+00> : vector<1xf32>
      %reduce_sum3A_164 = vector.multi_reduction <add>, %reduce_sum3A_162, %reduce_sum3A_163 [1, 2] : vector<1x1x800xf32> to vector<1xf32>
      %reduce_sum3A_165 = vector.shape_cast %reduce_sum3A_164 : vector<1xf32> to vector<1x1x1xf32>
      %reduce_sum3A_166 = vector.extract %reduce_sum3A_165[0, 0, 0] : f32 from vector<1x1x1xf32>
      %add3A_167 = arith.addf %add3A_152, %reduce_sum3A_166 : f32
      %get3A_168 = arith.constant 2 : index
      %get3A_169 = arith.constant 0 : index
      %get3A_170 = vector.load %arg7[%get3A_168, %get3A_169] : memref<32x1600xf32, #tpu.memory_space<vmem>>, vector<1x1600xf32>
      %get3A_171 = arith.constant 12 : index
      %get3A_172 = arith.constant 0 : index
      %get3A_173 = vector.load %arg7[%get3A_171, %get3A_172] : memref<32x1600xf32, #tpu.memory_space<vmem>>, vector<1x1600xf32>
      %add3A_174 = arith.addf %get3A_170, %get3A_173 : vector<1x1600xf32>
      %get3A_175 = arith.constant 22 : index
      %get3A_176 = arith.constant 0 : index
      %get3A_177 = vector.load %arg7[%get3A_175, %get3A_176] : memref<32x1600xf32, #tpu.memory_space<vmem>>, vector<1x1600xf32>
      %add3A_178 = arith.addf %add3A_174, %get3A_177 : vector<1x1600xf32>
      %slice3A_179 = vector.extract_strided_slice %add3A_178 {offsets = [0, 0], sizes = [1, 800], strides = [1, 1]} : vector<1x1600xf32> to vector<1x800xf32>
      %div3A_180 = vector.broadcast %sub3A_66 : f32 to vector<1x800xf32>
      %div3A_181 = arith.divf %slice3A_179, %div3A_180 : vector<1x800xf32>
      %slice3A_182 = vector.extract_strided_slice %add3A_178 {offsets = [0, 800], sizes = [1, 800], strides = [1, 1]} : vector<1x1600xf32> to vector<1x800xf32>
      %div3A_183 = vector.broadcast %get3A_64 : f32 to vector<1x800xf32>
      %div3A_184 = arith.divf %slice3A_182, %div3A_183 : vector<1x800xf32>
      %add3A_185 = arith.addf %div3A_181, %div3A_184 : vector<1x800xf32>
      %mul3A_186 = arith.constant 5.000000e-01 : f32
      %mul3A_187 = vector.broadcast %mul3A_186 : f32 to vector<1x800xf32>
      %mul3A_188 = arith.mulf %mul3A_187, %add3A_185 : vector<1x800xf32>
      %add3A_189 = arith.constant 1.000000e-10 : f32
      %add3A_190 = vector.broadcast %add3A_189 : f32 to vector<1x800xf32>
      %add3A_191 = arith.addf %div3A_181, %add3A_190 : vector<1x800xf32>
      %add3A_192 = arith.constant 1.000000e-10 : f32
      %add3A_193 = vector.broadcast %add3A_192 : f32 to vector<1x800xf32>
      %add3A_194 = arith.addf %mul3A_188, %add3A_193 : vector<1x800xf32>
      %div3A_195 = arith.divf %add3A_191, %add3A_194 : vector<1x800xf32>
      %log3A_196 = math.log %div3A_195 : vector<1x800xf32>
      %mul3A_197 = arith.mulf %div3A_181, %log3A_196 : vector<1x800xf32>
      %reduce_sum3A_198 = vector.shape_cast %mul3A_197 : vector<1x800xf32> to vector<1x1x800xf32>
      %reduce_sum3A_199 = arith.constant dense<0.000000e+00> : vector<1xf32>
      %reduce_sum3A_200 = vector.multi_reduction <add>, %reduce_sum3A_198, %reduce_sum3A_199 [1, 2] : vector<1x1x800xf32> to vector<1xf32>
      %reduce_sum3A_201 = vector.shape_cast %reduce_sum3A_200 : vector<1xf32> to vector<1x1x1xf32>
      %reduce_sum3A_202 = vector.extract %reduce_sum3A_201[0, 0, 0] : f32 from vector<1x1x1xf32>
      %add3A_203 = arith.addf %add3A_167, %reduce_sum3A_202 : f32
      %add3A_204 = arith.constant 1.000000e-10 : f32
      %add3A_205 = vector.broadcast %add3A_204 : f32 to vector<1x800xf32>
      %add3A_206 = arith.addf %div3A_184, %add3A_205 : vector<1x800xf32>
      %add3A_207 = arith.constant 1.000000e-10 : f32
      %add3A_208 = vector.broadcast %add3A_207 : f32 to vector<1x800xf32>
      %add3A_209 = arith.addf %mul3A_188, %add3A_208 : vector<1x800xf32>
      %div3A_210 = arith.divf %add3A_206, %add3A_209 : vector<1x800xf32>
      %log3A_211 = math.log %div3A_210 : vector<1x800xf32>
      %mul3A_212 = arith.mulf %div3A_184, %log3A_211 : vector<1x800xf32>
      %reduce_sum3A_213 = vector.shape_cast %mul3A_212 : vector<1x800xf32> to vector<1x1x800xf32>
      %reduce_sum3A_214 = arith.constant dense<0.000000e+00> : vector<1xf32>
      %reduce_sum3A_215 = vector.multi_reduction <add>, %reduce_sum3A_213, %reduce_sum3A_214 [1, 2] : vector<1x1x800xf32> to vector<1xf32>
      %reduce_sum3A_216 = vector.shape_cast %reduce_sum3A_215 : vector<1xf32> to vector<1x1x1xf32>
      %reduce_sum3A_217 = vector.extract %reduce_sum3A_216[0, 0, 0] : f32 from vector<1x1x1xf32>
      %add3A_218 = arith.addf %add3A_203, %reduce_sum3A_217 : f32
      %get3A_219 = arith.constant 3 : index
      %get3A_220 = arith.constant 0 : index
      %get3A_221 = vector.load %arg7[%get3A_219, %get3A_220] : memref<32x1600xf32, #tpu.memory_space<vmem>>, vector<1x1600xf32>
      %get3A_222 = arith.constant 13 : index
      %get3A_223 = arith.constant 0 : index
      %get3A_224 = vector.load %arg7[%get3A_222, %get3A_223] : memref<32x1600xf32, #tpu.memory_space<vmem>>, vector<1x1600xf32>
      %add3A_225 = arith.addf %get3A_221, %get3A_224 : vector<1x1600xf32>
      %get3A_226 = arith.constant 23 : index
      %get3A_227 = arith.constant 0 : index
      %get3A_228 = vector.load %arg7[%get3A_226, %get3A_227] : memref<32x1600xf32, #tpu.memory_space<vmem>>, vector<1x1600xf32>
      %add3A_229 = arith.addf %add3A_225, %get3A_228 : vector<1x1600xf32>
      %slice3A_230 = vector.extract_strided_slice %add3A_229 {offsets = [0, 0], sizes = [1, 800], strides = [1, 1]} : vector<1x1600xf32> to vector<1x800xf32>
      %div3A_231 = vector.broadcast %sub3A_66 : f32 to vector<1x800xf32>
      %div3A_232 = arith.divf %slice3A_230, %div3A_231 : vector<1x800xf32>
      %slice3A_233 = vector.extract_strided_slice %add3A_229 {offsets = [0, 800], sizes = [1, 800], strides = [1, 1]} : vector<1x1600xf32> to vector<1x800xf32>
      %div3A_234 = vector.broadcast %get3A_64 : f32 to vector<1x800xf32>
      %div3A_235 = arith.divf %slice3A_233, %div3A_234 : vector<1x800xf32>
      %add3A_236 = arith.addf %div3A_232, %div3A_235 : vector<1x800xf32>
      %mul3A_237 = arith.constant 5.000000e-01 : f32
      %mul3A_238 = vector.broadcast %mul3A_237 : f32 to vector<1x800xf32>
      %mul3A_239 = arith.mulf %mul3A_238, %add3A_236 : vector<1x800xf32>
      %add3A_240 = arith.constant 1.000000e-10 : f32
      %add3A_241 = vector.broadcast %add3A_240 : f32 to vector<1x800xf32>
      %add3A_242 = arith.addf %div3A_232, %add3A_241 : vector<1x800xf32>
      %add3A_243 = arith.constant 1.000000e-10 : f32
      %add3A_244 = vector.broadcast %add3A_243 : f32 to vector<1x800xf32>
      %add3A_245 = arith.addf %mul3A_239, %add3A_244 : vector<1x800xf32>
      %div3A_246 = arith.divf %add3A_242, %add3A_245 : vector<1x800xf32>
      %log3A_247 = math.log %div3A_246 : vector<1x800xf32>
      %mul3A_248 = arith.mulf %div3A_232, %log3A_247 : vector<1x800xf32>
      %reduce_sum3A_249 = vector.shape_cast %mul3A_248 : vector<1x800xf32> to vector<1x1x800xf32>
      %reduce_sum3A_250 = arith.constant dense<0.000000e+00> : vector<1xf32>
      %reduce_sum3A_251 = vector.multi_reduction <add>, %reduce_sum3A_249, %reduce_sum3A_250 [1, 2] : vector<1x1x800xf32> to vector<1xf32>
      %reduce_sum3A_252 = vector.shape_cast %reduce_sum3A_251 : vector<1xf32> to vector<1x1x1xf32>
      %reduce_sum3A_253 = vector.extract %reduce_sum3A_252[0, 0, 0] : f32 from vector<1x1x1xf32>
      %add3A_254 = arith.addf %add3A_218, %reduce_sum3A_253 : f32
      %add3A_255 = arith.constant 1.000000e-10 : f32
      %add3A_256 = vector.broadcast %add3A_255 : f32 to vector<1x800xf32>
      %add3A_257 = arith.addf %div3A_235, %add3A_256 : vector<1x800xf32>
      %add3A_258 = arith.constant 1.000000e-10 : f32
      %add3A_259 = vector.broadcast %add3A_258 : f32 to vector<1x800xf32>
      %add3A_260 = arith.addf %mul3A_239, %add3A_259 : vector<1x800xf32>
      %div3A_261 = arith.divf %add3A_257, %add3A_260 : vector<1x800xf32>
      %log3A_262 = math.log %div3A_261 : vector<1x800xf32>
      %mul3A_263 = arith.mulf %div3A_235, %log3A_262 : vector<1x800xf32>
      %reduce_sum3A_264 = vector.shape_cast %mul3A_263 : vector<1x800xf32> to vector<1x1x800xf32>
      %reduce_sum3A_265 = arith.constant dense<0.000000e+00> : vector<1xf32>
      %reduce_sum3A_266 = vector.multi_reduction <add>, %reduce_sum3A_264, %reduce_sum3A_265 [1, 2] : vector<1x1x800xf32> to vector<1xf32>
      %reduce_sum3A_267 = vector.shape_cast %reduce_sum3A_266 : vector<1xf32> to vector<1x1x1xf32>
      %reduce_sum3A_268 = vector.extract %reduce_sum3A_267[0, 0, 0] : f32 from vector<1x1x1xf32>
      %add3A_269 = arith.addf %add3A_254, %reduce_sum3A_268 : f32
      %get3A_270 = arith.constant 4 : index
      %get3A_271 = arith.constant 0 : index
      %get3A_272 = vector.load %arg7[%get3A_270, %get3A_271] : memref<32x1600xf32, #tpu.memory_space<vmem>>, vector<1x1600xf32>
      %get3A_273 = arith.constant 14 : index
      %get3A_274 = arith.constant 0 : index
      %get3A_275 = vector.load %arg7[%get3A_273, %get3A_274] : memref<32x1600xf32, #tpu.memory_space<vmem>>, vector<1x1600xf32>
      %add3A_276 = arith.addf %get3A_272, %get3A_275 : vector<1x1600xf32>
      %get3A_277 = arith.constant 24 : index
      %get3A_278 = arith.constant 0 : index
      %get3A_279 = vector.load %arg7[%get3A_277, %get3A_278] : memref<32x1600xf32, #tpu.memory_space<vmem>>, vector<1x1600xf32>
      %add3A_280 = arith.addf %add3A_276, %get3A_279 : vector<1x1600xf32>
      %slice3A_281 = vector.extract_strided_slice %add3A_280 {offsets = [0, 0], sizes = [1, 800], strides = [1, 1]} : vector<1x1600xf32> to vector<1x800xf32>
      %div3A_282 = vector.broadcast %sub3A_66 : f32 to vector<1x800xf32>
      %div3A_283 = arith.divf %slice3A_281, %div3A_282 : vector<1x800xf32>
      %slice3A_284 = vector.extract_strided_slice %add3A_280 {offsets = [0, 800], sizes = [1, 800], strides = [1, 1]} : vector<1x1600xf32> to vector<1x800xf32>
      %div3A_285 = vector.broadcast %get3A_64 : f32 to vector<1x800xf32>
      %div3A_286 = arith.divf %slice3A_284, %div3A_285 : vector<1x800xf32>
      %add3A_287 = arith.addf %div3A_283, %div3A_286 : vector<1x800xf32>
      %mul3A_288 = arith.constant 5.000000e-01 : f32
      %mul3A_289 = vector.broadcast %mul3A_288 : f32 to vector<1x800xf32>
      %mul3A_290 = arith.mulf %mul3A_289, %add3A_287 : vector<1x800xf32>
      %add3A_291 = arith.constant 1.000000e-10 : f32
      %add3A_292 = vector.broadcast %add3A_291 : f32 to vector<1x800xf32>
      %add3A_293 = arith.addf %div3A_283, %add3A_292 : vector<1x800xf32>
      %add3A_294 = arith.constant 1.000000e-10 : f32
      %add3A_295 = vector.broadcast %add3A_294 : f32 to vector<1x800xf32>
      %add3A_296 = arith.addf %mul3A_290, %add3A_295 : vector<1x800xf32>
      %div3A_297 = arith.divf %add3A_293, %add3A_296 : vector<1x800xf32>
      %log3A_298 = math.log %div3A_297 : vector<1x800xf32>
      %mul3A_299 = arith.mulf %div3A_283, %log3A_298 : vector<1x800xf32>
      %reduce_sum3A_300 = vector.shape_cast %mul3A_299 : vector<1x800xf32> to vector<1x1x800xf32>
      %reduce_sum3A_301 = arith.constant dense<0.000000e+00> : vector<1xf32>
      %reduce_sum3A_302 = vector.multi_reduction <add>, %reduce_sum3A_300, %reduce_sum3A_301 [1, 2] : vector<1x1x800xf32> to vector<1xf32>
      %reduce_sum3A_303 = vector.shape_cast %reduce_sum3A_302 : vector<1xf32> to vector<1x1x1xf32>
      %reduce_sum3A_304 = vector.extract %reduce_sum3A_303[0, 0, 0] : f32 from vector<1x1x1xf32>
      %add3A_305 = arith.addf %add3A_269, %reduce_sum3A_304 : f32
      %add3A_306 = arith.constant 1.000000e-10 : f32
      %add3A_307 = vector.broadcast %add3A_306 : f32 to vector<1x800xf32>
      %add3A_308 = arith.addf %div3A_286, %add3A_307 : vector<1x800xf32>
      %add3A_309 = arith.constant 1.000000e-10 : f32
      %add3A_310 = vector.broadcast %add3A_309 : f32 to vector<1x800xf32>
      %add3A_311 = arith.addf %mul3A_290, %add3A_310 : vector<1x800xf32>
      %div3A_312 = arith.divf %add3A_308, %add3A_311 : vector<1x800xf32>
      %log3A_313 = math.log %div3A_312 : vector<1x800xf32>
      %mul3A_314 = arith.mulf %div3A_286, %log3A_313 : vector<1x800xf32>
      %reduce_sum3A_315 = vector.shape_cast %mul3A_314 : vector<1x800xf32> to vector<1x1x800xf32>
      %reduce_sum3A_316 = arith.constant dense<0.000000e+00> : vector<1xf32>
      %reduce_sum3A_317 = vector.multi_reduction <add>, %reduce_sum3A_315, %reduce_sum3A_316 [1, 2] : vector<1x1x800xf32> to vector<1xf32>
      %reduce_sum3A_318 = vector.shape_cast %reduce_sum3A_317 : vector<1xf32> to vector<1x1x1xf32>
      %reduce_sum3A_319 = vector.extract %reduce_sum3A_318[0, 0, 0] : f32 from vector<1x1x1xf32>
      %add3A_320 = arith.addf %add3A_305, %reduce_sum3A_319 : f32
      %get3A_321 = arith.constant 5 : index
      %get3A_322 = arith.constant 0 : index
      %get3A_323 = vector.load %arg7[%get3A_321, %get3A_322] : memref<32x1600xf32, #tpu.memory_space<vmem>>, vector<1x1600xf32>
      %get3A_324 = arith.constant 15 : index
      %get3A_325 = arith.constant 0 : index
      %get3A_326 = vector.load %arg7[%get3A_324, %get3A_325] : memref<32x1600xf32, #tpu.memory_space<vmem>>, vector<1x1600xf32>
      %add3A_327 = arith.addf %get3A_323, %get3A_326 : vector<1x1600xf32>
      %get3A_328 = arith.constant 25 : index
      %get3A_329 = arith.constant 0 : index
      %get3A_330 = vector.load %arg7[%get3A_328, %get3A_329] : memref<32x1600xf32, #tpu.memory_space<vmem>>, vector<1x1600xf32>
      %add3A_331 = arith.addf %add3A_327, %get3A_330 : vector<1x1600xf32>
      %slice3A_332 = vector.extract_strided_slice %add3A_331 {offsets = [0, 0], sizes = [1, 800], strides = [1, 1]} : vector<1x1600xf32> to vector<1x800xf32>
      %div3A_333 = vector.broadcast %sub3A_66 : f32 to vector<1x800xf32>
      %div3A_334 = arith.divf %slice3A_332, %div3A_333 : vector<1x800xf32>
      %slice3A_335 = vector.extract_strided_slice %add3A_331 {offsets = [0, 800], sizes = [1, 800], strides = [1, 1]} : vector<1x1600xf32> to vector<1x800xf32>
      %div3A_336 = vector.broadcast %get3A_64 : f32 to vector<1x800xf32>
      %div3A_337 = arith.divf %slice3A_335, %div3A_336 : vector<1x800xf32>
      %add3A_338 = arith.addf %div3A_334, %div3A_337 : vector<1x800xf32>
      %mul3A_339 = arith.constant 5.000000e-01 : f32
      %mul3A_340 = vector.broadcast %mul3A_339 : f32 to vector<1x800xf32>
      %mul3A_341 = arith.mulf %mul3A_340, %add3A_338 : vector<1x800xf32>
      %add3A_342 = arith.constant 1.000000e-10 : f32
      %add3A_343 = vector.broadcast %add3A_342 : f32 to vector<1x800xf32>
      %add3A_344 = arith.addf %div3A_334, %add3A_343 : vector<1x800xf32>
      %add3A_345 = arith.constant 1.000000e-10 : f32
      %add3A_346 = vector.broadcast %add3A_345 : f32 to vector<1x800xf32>
      %add3A_347 = arith.addf %mul3A_341, %add3A_346 : vector<1x800xf32>
      %div3A_348 = arith.divf %add3A_344, %add3A_347 : vector<1x800xf32>
      %log3A_349 = math.log %div3A_348 : vector<1x800xf32>
      %mul3A_350 = arith.mulf %div3A_334, %log3A_349 : vector<1x800xf32>
      %reduce_sum3A_351 = vector.shape_cast %mul3A_350 : vector<1x800xf32> to vector<1x1x800xf32>
      %reduce_sum3A_352 = arith.constant dense<0.000000e+00> : vector<1xf32>
      %reduce_sum3A_353 = vector.multi_reduction <add>, %reduce_sum3A_351, %reduce_sum3A_352 [1, 2] : vector<1x1x800xf32> to vector<1xf32>
      %reduce_sum3A_354 = vector.shape_cast %reduce_sum3A_353 : vector<1xf32> to vector<1x1x1xf32>
      %reduce_sum3A_355 = vector.extract %reduce_sum3A_354[0, 0, 0] : f32 from vector<1x1x1xf32>
      %add3A_356 = arith.addf %add3A_320, %reduce_sum3A_355 : f32
      %add3A_357 = arith.constant 1.000000e-10 : f32
      %add3A_358 = vector.broadcast %add3A_357 : f32 to vector<1x800xf32>
      %add3A_359 = arith.addf %div3A_337, %add3A_358 : vector<1x800xf32>
      %add3A_360 = arith.constant 1.000000e-10 : f32
      %add3A_361 = vector.broadcast %add3A_360 : f32 to vector<1x800xf32>
      %add3A_362 = arith.addf %mul3A_341, %add3A_361 : vector<1x800xf32>
      %div3A_363 = arith.divf %add3A_359, %add3A_362 : vector<1x800xf32>
      %log3A_364 = math.log %div3A_363 : vector<1x800xf32>
      %mul3A_365 = arith.mulf %div3A_337, %log3A_364 : vector<1x800xf32>
      %reduce_sum3A_366 = vector.shape_cast %mul3A_365 : vector<1x800xf32> to vector<1x1x800xf32>
      %reduce_sum3A_367 = arith.constant dense<0.000000e+00> : vector<1xf32>
      %reduce_sum3A_368 = vector.multi_reduction <add>, %reduce_sum3A_366, %reduce_sum3A_367 [1, 2] : vector<1x1x800xf32> to vector<1xf32>
      %reduce_sum3A_369 = vector.shape_cast %reduce_sum3A_368 : vector<1xf32> to vector<1x1x1xf32>
      %reduce_sum3A_370 = vector.extract %reduce_sum3A_369[0, 0, 0] : f32 from vector<1x1x1xf32>
      %add3A_371 = arith.addf %add3A_356, %reduce_sum3A_370 : f32
      %get3A_372 = arith.constant 6 : index
      %get3A_373 = arith.constant 0 : index
      %get3A_374 = vector.load %arg7[%get3A_372, %get3A_373] : memref<32x1600xf32, #tpu.memory_space<vmem>>, vector<1x1600xf32>
      %get3A_375 = arith.constant 16 : index
      %get3A_376 = arith.constant 0 : index
      %get3A_377 = vector.load %arg7[%get3A_375, %get3A_376] : memref<32x1600xf32, #tpu.memory_space<vmem>>, vector<1x1600xf32>
      %add3A_378 = arith.addf %get3A_374, %get3A_377 : vector<1x1600xf32>
      %get3A_379 = arith.constant 26 : index
      %get3A_380 = arith.constant 0 : index
      %get3A_381 = vector.load %arg7[%get3A_379, %get3A_380] : memref<32x1600xf32, #tpu.memory_space<vmem>>, vector<1x1600xf32>
      %add3A_382 = arith.addf %add3A_378, %get3A_381 : vector<1x1600xf32>
      %slice3A_383 = vector.extract_strided_slice %add3A_382 {offsets = [0, 0], sizes = [1, 800], strides = [1, 1]} : vector<1x1600xf32> to vector<1x800xf32>
      %div3A_384 = vector.broadcast %sub3A_66 : f32 to vector<1x800xf32>
      %div3A_385 = arith.divf %slice3A_383, %div3A_384 : vector<1x800xf32>
      %slice3A_386 = vector.extract_strided_slice %add3A_382 {offsets = [0, 800], sizes = [1, 800], strides = [1, 1]} : vector<1x1600xf32> to vector<1x800xf32>
      %div3A_387 = vector.broadcast %get3A_64 : f32 to vector<1x800xf32>
      %div3A_388 = arith.divf %slice3A_386, %div3A_387 : vector<1x800xf32>
      %add3A_389 = arith.addf %div3A_385, %div3A_388 : vector<1x800xf32>
      %mul3A_390 = arith.constant 5.000000e-01 : f32
      %mul3A_391 = vector.broadcast %mul3A_390 : f32 to vector<1x800xf32>
      %mul3A_392 = arith.mulf %mul3A_391, %add3A_389 : vector<1x800xf32>
      %add3A_393 = arith.constant 1.000000e-10 : f32
      %add3A_394 = vector.broadcast %add3A_393 : f32 to vector<1x800xf32>
      %add3A_395 = arith.addf %div3A_385, %add3A_394 : vector<1x800xf32>
      %add3A_396 = arith.constant 1.000000e-10 : f32
      %add3A_397 = vector.broadcast %add3A_396 : f32 to vector<1x800xf32>
      %add3A_398 = arith.addf %mul3A_392, %add3A_397 : vector<1x800xf32>
      %div3A_399 = arith.divf %add3A_395, %add3A_398 : vector<1x800xf32>
      %log3A_400 = math.log %div3A_399 : vector<1x800xf32>
      %mul3A_401 = arith.mulf %div3A_385, %log3A_400 : vector<1x800xf32>
      %reduce_sum3A_402 = vector.shape_cast %mul3A_401 : vector<1x800xf32> to vector<1x1x800xf32>
      %reduce_sum3A_403 = arith.constant dense<0.000000e+00> : vector<1xf32>
      %reduce_sum3A_404 = vector.multi_reduction <add>, %reduce_sum3A_402, %reduce_sum3A_403 [1, 2] : vector<1x1x800xf32> to vector<1xf32>
      %reduce_sum3A_405 = vector.shape_cast %reduce_sum3A_404 : vector<1xf32> to vector<1x1x1xf32>
      %reduce_sum3A_406 = vector.extract %reduce_sum3A_405[0, 0, 0] : f32 from vector<1x1x1xf32>
      %add3A_407 = arith.addf %add3A_371, %reduce_sum3A_406 : f32
      %add3A_408 = arith.constant 1.000000e-10 : f32
      %add3A_409 = vector.broadcast %add3A_408 : f32 to vector<1x800xf32>
      %add3A_410 = arith.addf %div3A_388, %add3A_409 : vector<1x800xf32>
      %add3A_411 = arith.constant 1.000000e-10 : f32
      %add3A_412 = vector.broadcast %add3A_411 : f32 to vector<1x800xf32>
      %add3A_413 = arith.addf %mul3A_392, %add3A_412 : vector<1x800xf32>
      %div3A_414 = arith.divf %add3A_410, %add3A_413 : vector<1x800xf32>
      %log3A_415 = math.log %div3A_414 : vector<1x800xf32>
      %mul3A_416 = arith.mulf %div3A_388, %log3A_415 : vector<1x800xf32>
      %reduce_sum3A_417 = vector.shape_cast %mul3A_416 : vector<1x800xf32> to vector<1x1x800xf32>
      %reduce_sum3A_418 = arith.constant dense<0.000000e+00> : vector<1xf32>
      %reduce_sum3A_419 = vector.multi_reduction <add>, %reduce_sum3A_417, %reduce_sum3A_418 [1, 2] : vector<1x1x800xf32> to vector<1xf32>
      %reduce_sum3A_420 = vector.shape_cast %reduce_sum3A_419 : vector<1xf32> to vector<1x1x1xf32>
      %reduce_sum3A_421 = vector.extract %reduce_sum3A_420[0, 0, 0] : f32 from vector<1x1x1xf32>
      %add3A_422 = arith.addf %add3A_407, %reduce_sum3A_421 : f32
      %get3A_423 = arith.constant 7 : index
      %get3A_424 = arith.constant 0 : index
      %get3A_425 = vector.load %arg7[%get3A_423, %get3A_424] : memref<32x1600xf32, #tpu.memory_space<vmem>>, vector<1x1600xf32>
      %get3A_426 = arith.constant 17 : index
      %get3A_427 = arith.constant 0 : index
      %get3A_428 = vector.load %arg7[%get3A_426, %get3A_427] : memref<32x1600xf32, #tpu.memory_space<vmem>>, vector<1x1600xf32>
      %add3A_429 = arith.addf %get3A_425, %get3A_428 : vector<1x1600xf32>
      %get3A_430 = arith.constant 27 : index
      %get3A_431 = arith.constant 0 : index
      %get3A_432 = vector.load %arg7[%get3A_430, %get3A_431] : memref<32x1600xf32, #tpu.memory_space<vmem>>, vector<1x1600xf32>
      %add3A_433 = arith.addf %add3A_429, %get3A_432 : vector<1x1600xf32>
      %slice3A_434 = vector.extract_strided_slice %add3A_433 {offsets = [0, 0], sizes = [1, 800], strides = [1, 1]} : vector<1x1600xf32> to vector<1x800xf32>
      %div3A_435 = vector.broadcast %sub3A_66 : f32 to vector<1x800xf32>
      %div3A_436 = arith.divf %slice3A_434, %div3A_435 : vector<1x800xf32>
      %slice3A_437 = vector.extract_strided_slice %add3A_433 {offsets = [0, 800], sizes = [1, 800], strides = [1, 1]} : vector<1x1600xf32> to vector<1x800xf32>
      %div3A_438 = vector.broadcast %get3A_64 : f32 to vector<1x800xf32>
      %div3A_439 = arith.divf %slice3A_437, %div3A_438 : vector<1x800xf32>
      %add3A_440 = arith.addf %div3A_436, %div3A_439 : vector<1x800xf32>
      %mul3A_441 = arith.constant 5.000000e-01 : f32
      %mul3A_442 = vector.broadcast %mul3A_441 : f32 to vector<1x800xf32>
      %mul3A_443 = arith.mulf %mul3A_442, %add3A_440 : vector<1x800xf32>
      %add3A_444 = arith.constant 1.000000e-10 : f32
      %add3A_445 = vector.broadcast %add3A_444 : f32 to vector<1x800xf32>
      %add3A_446 = arith.addf %div3A_436, %add3A_445 : vector<1x800xf32>
      %add3A_447 = arith.constant 1.000000e-10 : f32
      %add3A_448 = vector.broadcast %add3A_447 : f32 to vector<1x800xf32>
      %add3A_449 = arith.addf %mul3A_443, %add3A_448 : vector<1x800xf32>
      %div3A_450 = arith.divf %add3A_446, %add3A_449 : vector<1x800xf32>
      %log3A_451 = math.log %div3A_450 : vector<1x800xf32>
      %mul3A_452 = arith.mulf %div3A_436, %log3A_451 : vector<1x800xf32>
      %reduce_sum3A_453 = vector.shape_cast %mul3A_452 : vector<1x800xf32> to vector<1x1x800xf32>
      %reduce_sum3A_454 = arith.constant dense<0.000000e+00> : vector<1xf32>
      %reduce_sum3A_455 = vector.multi_reduction <add>, %reduce_sum3A_453, %reduce_sum3A_454 [1, 2] : vector<1x1x800xf32> to vector<1xf32>
      %reduce_sum3A_456 = vector.shape_cast %reduce_sum3A_455 : vector<1xf32> to vector<1x1x1xf32>
      %reduce_sum3A_457 = vector.extract %reduce_sum3A_456[0, 0, 0] : f32 from vector<1x1x1xf32>
      %add3A_458 = arith.addf %add3A_422, %reduce_sum3A_457 : f32
      %add3A_459 = arith.constant 1.000000e-10 : f32
      %add3A_460 = vector.broadcast %add3A_459 : f32 to vector<1x800xf32>
      %add3A_461 = arith.addf %div3A_439, %add3A_460 : vector<1x800xf32>
      %add3A_462 = arith.constant 1.000000e-10 : f32
      %add3A_463 = vector.broadcast %add3A_462 : f32 to vector<1x800xf32>
      %add3A_464 = arith.addf %mul3A_443, %add3A_463 : vector<1x800xf32>
      %div3A_465 = arith.divf %add3A_461, %add3A_464 : vector<1x800xf32>
      %log3A_466 = math.log %div3A_465 : vector<1x800xf32>
      %mul3A_467 = arith.mulf %div3A_439, %log3A_466 : vector<1x800xf32>
      %reduce_sum3A_468 = vector.shape_cast %mul3A_467 : vector<1x800xf32> to vector<1x1x800xf32>
      %reduce_sum3A_469 = arith.constant dense<0.000000e+00> : vector<1xf32>
      %reduce_sum3A_470 = vector.multi_reduction <add>, %reduce_sum3A_468, %reduce_sum3A_469 [1, 2] : vector<1x1x800xf32> to vector<1xf32>
      %reduce_sum3A_471 = vector.shape_cast %reduce_sum3A_470 : vector<1xf32> to vector<1x1x1xf32>
      %reduce_sum3A_472 = vector.extract %reduce_sum3A_471[0, 0, 0] : f32 from vector<1x1x1xf32>
      %add3A_473 = arith.addf %add3A_458, %reduce_sum3A_472 : f32
      %get3A_474 = arith.constant 8 : index
      %get3A_475 = arith.constant 0 : index
      %get3A_476 = vector.load %arg7[%get3A_474, %get3A_475] : memref<32x1600xf32, #tpu.memory_space<vmem>>, vector<1x1600xf32>
      %get3A_477 = arith.constant 18 : index
      %get3A_478 = arith.constant 0 : index
      %get3A_479 = vector.load %arg7[%get3A_477, %get3A_478] : memref<32x1600xf32, #tpu.memory_space<vmem>>, vector<1x1600xf32>
      %add3A_480 = arith.addf %get3A_476, %get3A_479 : vector<1x1600xf32>
      %get3A_481 = arith.constant 28 : index
      %get3A_482 = arith.constant 0 : index
      %get3A_483 = vector.load %arg7[%get3A_481, %get3A_482] : memref<32x1600xf32, #tpu.memory_space<vmem>>, vector<1x1600xf32>
      %add3A_484 = arith.addf %add3A_480, %get3A_483 : vector<1x1600xf32>
      %slice3A_485 = vector.extract_strided_slice %add3A_484 {offsets = [0, 0], sizes = [1, 800], strides = [1, 1]} : vector<1x1600xf32> to vector<1x800xf32>
      %div3A_486 = vector.broadcast %sub3A_66 : f32 to vector<1x800xf32>
      %div3A_487 = arith.divf %slice3A_485, %div3A_486 : vector<1x800xf32>
      %slice3A_488 = vector.extract_strided_slice %add3A_484 {offsets = [0, 800], sizes = [1, 800], strides = [1, 1]} : vector<1x1600xf32> to vector<1x800xf32>
      %div3A_489 = vector.broadcast %get3A_64 : f32 to vector<1x800xf32>
      %div3A_490 = arith.divf %slice3A_488, %div3A_489 : vector<1x800xf32>
      %add3A_491 = arith.addf %div3A_487, %div3A_490 : vector<1x800xf32>
      %mul3A_492 = arith.constant 5.000000e-01 : f32
      %mul3A_493 = vector.broadcast %mul3A_492 : f32 to vector<1x800xf32>
      %mul3A_494 = arith.mulf %mul3A_493, %add3A_491 : vector<1x800xf32>
      %add3A_495 = arith.constant 1.000000e-10 : f32
      %add3A_496 = vector.broadcast %add3A_495 : f32 to vector<1x800xf32>
      %add3A_497 = arith.addf %div3A_487, %add3A_496 : vector<1x800xf32>
      %add3A_498 = arith.constant 1.000000e-10 : f32
      %add3A_499 = vector.broadcast %add3A_498 : f32 to vector<1x800xf32>
      %add3A_500 = arith.addf %mul3A_494, %add3A_499 : vector<1x800xf32>
      %div3A_501 = arith.divf %add3A_497, %add3A_500 : vector<1x800xf32>
      %log3A_502 = math.log %div3A_501 : vector<1x800xf32>
      %mul3A_503 = arith.mulf %div3A_487, %log3A_502 : vector<1x800xf32>
      %reduce_sum3A_504 = vector.shape_cast %mul3A_503 : vector<1x800xf32> to vector<1x1x800xf32>
      %reduce_sum3A_505 = arith.constant dense<0.000000e+00> : vector<1xf32>
      %reduce_sum3A_506 = vector.multi_reduction <add>, %reduce_sum3A_504, %reduce_sum3A_505 [1, 2] : vector<1x1x800xf32> to vector<1xf32>
      %reduce_sum3A_507 = vector.shape_cast %reduce_sum3A_506 : vector<1xf32> to vector<1x1x1xf32>
      %reduce_sum3A_508 = vector.extract %reduce_sum3A_507[0, 0, 0] : f32 from vector<1x1x1xf32>
      %add3A_509 = arith.addf %add3A_473, %reduce_sum3A_508 : f32
      %add3A_510 = arith.constant 1.000000e-10 : f32
      %add3A_511 = vector.broadcast %add3A_510 : f32 to vector<1x800xf32>
      %add3A_512 = arith.addf %div3A_490, %add3A_511 : vector<1x800xf32>
      %add3A_513 = arith.constant 1.000000e-10 : f32
      %add3A_514 = vector.broadcast %add3A_513 : f32 to vector<1x800xf32>
      %add3A_515 = arith.addf %mul3A_494, %add3A_514 : vector<1x800xf32>
      %div3A_516 = arith.divf %add3A_512, %add3A_515 : vector<1x800xf32>
      %log3A_517 = math.log %div3A_516 : vector<1x800xf32>
      %mul3A_518 = arith.mulf %div3A_490, %log3A_517 : vector<1x800xf32>
      %reduce_sum3A_519 = vector.shape_cast %mul3A_518 : vector<1x800xf32> to vector<1x1x800xf32>
      %reduce_sum3A_520 = arith.constant dense<0.000000e+00> : vector<1xf32>
      %reduce_sum3A_521 = vector.multi_reduction <add>, %reduce_sum3A_519, %reduce_sum3A_520 [1, 2] : vector<1x1x800xf32> to vector<1xf32>
      %reduce_sum3A_522 = vector.shape_cast %reduce_sum3A_521 : vector<1xf32> to vector<1x1x1xf32>
      %reduce_sum3A_523 = vector.extract %reduce_sum3A_522[0, 0, 0] : f32 from vector<1x1x1xf32>
      %add3A_524 = arith.addf %add3A_509, %reduce_sum3A_523 : f32
      %get3A_525 = arith.constant 9 : index
      %get3A_526 = arith.constant 0 : index
      %get3A_527 = vector.load %arg7[%get3A_525, %get3A_526] : memref<32x1600xf32, #tpu.memory_space<vmem>>, vector<1x1600xf32>
      %get3A_528 = arith.constant 19 : index
      %get3A_529 = arith.constant 0 : index
      %get3A_530 = vector.load %arg7[%get3A_528, %get3A_529] : memref<32x1600xf32, #tpu.memory_space<vmem>>, vector<1x1600xf32>
      %add3A_531 = arith.addf %get3A_527, %get3A_530 : vector<1x1600xf32>
      %get3A_532 = arith.constant 29 : index
      %get3A_533 = arith.constant 0 : index
      %get3A_534 = vector.load %arg7[%get3A_532, %get3A_533] : memref<32x1600xf32, #tpu.memory_space<vmem>>, vector<1x1600xf32>
      %add3A_535 = arith.addf %add3A_531, %get3A_534 : vector<1x1600xf32>
      %slice3A_536 = vector.extract_strided_slice %add3A_535 {offsets = [0, 0], sizes = [1, 800], strides = [1, 1]} : vector<1x1600xf32> to vector<1x800xf32>
      %div3A_537 = vector.broadcast %sub3A_66 : f32 to vector<1x800xf32>
      %div3A_538 = arith.divf %slice3A_536, %div3A_537 : vector<1x800xf32>
      %slice3A_539 = vector.extract_strided_slice %add3A_535 {offsets = [0, 800], sizes = [1, 800], strides = [1, 1]} : vector<1x1600xf32> to vector<1x800xf32>
      %div3A_540 = vector.broadcast %get3A_64 : f32 to vector<1x800xf32>
      %div3A_541 = arith.divf %slice3A_539, %div3A_540 : vector<1x800xf32>
      %add3A_542 = arith.addf %div3A_538, %div3A_541 : vector<1x800xf32>
      %mul3A_543 = arith.constant 5.000000e-01 : f32
      %mul3A_544 = vector.broadcast %mul3A_543 : f32 to vector<1x800xf32>
      %mul3A_545 = arith.mulf %mul3A_544, %add3A_542 : vector<1x800xf32>
      %add3A_546 = arith.constant 1.000000e-10 : f32
      %add3A_547 = vector.broadcast %add3A_546 : f32 to vector<1x800xf32>
      %add3A_548 = arith.addf %div3A_538, %add3A_547 : vector<1x800xf32>
      %add3A_549 = arith.constant 1.000000e-10 : f32
      %add3A_550 = vector.broadcast %add3A_549 : f32 to vector<1x800xf32>
      %add3A_551 = arith.addf %mul3A_545, %add3A_550 : vector<1x800xf32>
      %div3A_552 = arith.divf %add3A_548, %add3A_551 : vector<1x800xf32>
      %log3A_553 = math.log %div3A_552 : vector<1x800xf32>
      %mul3A_554 = arith.mulf %div3A_538, %log3A_553 : vector<1x800xf32>
      %reduce_sum3A_555 = vector.shape_cast %mul3A_554 : vector<1x800xf32> to vector<1x1x800xf32>
      %reduce_sum3A_556 = arith.constant dense<0.000000e+00> : vector<1xf32>
      %reduce_sum3A_557 = vector.multi_reduction <add>, %reduce_sum3A_555, %reduce_sum3A_556 [1, 2] : vector<1x1x800xf32> to vector<1xf32>
      %reduce_sum3A_558 = vector.shape_cast %reduce_sum3A_557 : vector<1xf32> to vector<1x1x1xf32>
      %reduce_sum3A_559 = vector.extract %reduce_sum3A_558[0, 0, 0] : f32 from vector<1x1x1xf32>
      %add3A_560 = arith.addf %add3A_524, %reduce_sum3A_559 : f32
      %add3A_561 = arith.constant 1.000000e-10 : f32
      %add3A_562 = vector.broadcast %add3A_561 : f32 to vector<1x800xf32>
      %add3A_563 = arith.addf %div3A_541, %add3A_562 : vector<1x800xf32>
      %add3A_564 = arith.constant 1.000000e-10 : f32
      %add3A_565 = vector.broadcast %add3A_564 : f32 to vector<1x800xf32>
      %add3A_566 = arith.addf %mul3A_545, %add3A_565 : vector<1x800xf32>
      %div3A_567 = arith.divf %add3A_563, %add3A_566 : vector<1x800xf32>
      %log3A_568 = math.log %div3A_567 : vector<1x800xf32>
      %mul3A_569 = arith.mulf %div3A_541, %log3A_568 : vector<1x800xf32>
      %reduce_sum3A_570 = vector.shape_cast %mul3A_569 : vector<1x800xf32> to vector<1x1x800xf32>
      %reduce_sum3A_571 = arith.constant dense<0.000000e+00> : vector<1xf32>
      %reduce_sum3A_572 = vector.multi_reduction <add>, %reduce_sum3A_570, %reduce_sum3A_571 [1, 2] : vector<1x1x800xf32> to vector<1xf32>
      %reduce_sum3A_573 = vector.shape_cast %reduce_sum3A_572 : vector<1xf32> to vector<1x1x1xf32>
      %reduce_sum3A_574 = vector.extract %reduce_sum3A_573[0, 0, 0] : f32 from vector<1x1x1xf32>
      %add3A_575 = arith.addf %add3A_560, %reduce_sum3A_574 : f32
      %mul3A_576 = arith.constant 5.000000e-01 : f32
      %mul3A_577 = arith.mulf %mul3A_576, %add3A_575 : f32
      %get3A_578 = arith.constant 0 : index
      %get3A_579 = memref.load %arg9[%get3A_578] : memref<4xf32, #tpu.memory_space<smem>>
      %mul3A_580 = arith.constant 6.10351563E-5 : f32
      %mul3A_581 = arith.mulf %get3A_579, %mul3A_580 : f32
      %get3A_582 = arith.constant 1 : index
      %get3A_583 = memref.load %arg9[%get3A_582] : memref<4xf32, #tpu.memory_space<smem>>
      %mul3A_584 = arith.constant 6.10351563E-5 : f32
      %mul3A_585 = arith.mulf %get3A_583, %mul3A_584 : f32
      %mul3A_586 = arith.constant 5.000000e-01 : f32
      %mul3A_587 = arith.mulf %mul3A_586, %mul3A_577 : f32
      %add3A_588 = arith.addf %mul3A_581, %mul3A_585 : f32
      %mul3A_589 = arith.constant 5.000000e-01 : f32
      %mul3A_590 = arith.mulf %mul3A_589, %add3A_588 : f32
      %add3A_591 = arith.addf %mul3A_590, %mul3A_587 : f32
      %iota3A = tpu.iota {dimensions = array<i32: 1>} : vector<1x128xi32>
      %eq3A_592 = arith.constant 0 : i32
      %eq3A_593 = vector.broadcast %eq3A_592 : i32 to vector<1x128xi32>
      %eq3A_594 = arith.cmpi eq, %iota3A, %eq3A_593 : vector<1x128xi32>
      %eq3A_595 = arith.constant 1 : i32
      %eq3A_596 = vector.broadcast %eq3A_595 : i32 to vector<1x128xi32>
      %eq3A_597 = arith.cmpi eq, %iota3A, %eq3A_596 : vector<1x128xi32>
      %eq3A_598 = arith.constant 2 : i32
      %eq3A_599 = vector.broadcast %eq3A_598 : i32 to vector<1x128xi32>
      %eq3A_600 = arith.cmpi eq, %iota3A, %eq3A_599 : vector<1x128xi32>
      %broadcast_in_dim3A = vector.broadcast %mul3A_585 : f32 to vector<1x128xf32>
      %broadcast_in_dim3A_601 = vector.broadcast %mul3A_587 : f32 to vector<1x128xf32>
      %select_n3A = arith.select %eq3A_600, %broadcast_in_dim3A, %broadcast_in_dim3A_601 : vector<1x128xi1>, vector<1x128xf32>
      %broadcast_in_dim3A_602 = vector.broadcast %mul3A_581 : f32 to vector<1x128xf32>
      %select_n3A_603 = arith.select %eq3A_597, %broadcast_in_dim3A_602, %select_n3A : vector<1x128xi1>, vector<1x128xf32>
      %broadcast_in_dim3A_604 = vector.broadcast %add3A_591 : f32 to vector<1x128xf32>
      %select_n3A_605 = arith.select %eq3A_594, %broadcast_in_dim3A_604, %select_n3A_603 : vector<1x128xi1>, vector<1x128xf32>
      %swap3A_606 = arith.constant 0 : index
      %swap3A_607 = arith.constant 0 : index
      %swap3A_608 = vector.load %arg8[%swap3A_606, %swap3A_607] : memref<1x128xf32, #tpu.memory_space<vmem>>, vector<1x128xf32>
      tpu.vector_store %arg8[%swap3A_606, %swap3A_607], %select_n3A_605 {strides = array<i32>} : memref<1x128xf32, #tpu.memory_space<vmem>>, vector<1x128xf32>,
    } else {
    }
    return
  }
  func.func @transform_0(%arg0: i32) -> (i32, i32) {
    %c0_i32 = arith.constant 0 : i32
    %c0_i32_0 = arith.constant 0 : i32
    return %arg0, %c0_i32 : i32, i32
  }
  func.func @transform_1(%arg0: i32) -> (i32, i32) {
    %c0_i32 = arith.constant 0 : i32
    %c0_i32_0 = arith.constant 0 : i32
    return %arg0, %c0_i32 : i32, i32
  }
  func.func @transform_2(%arg0: i32) -> (i32, i32) {
    %c0_i32 = arith.constant 0 : i32
    %c0_i32_0 = arith.constant 0 : i32
    return %c0_i32, %arg0 : i32, i32
  }
  func.func @transform_3(%arg0: i32) -> (i32, i32) {
    %c0_i32 = arith.constant 0 : i32
    %c0_i32_0 = arith.constant 0 : i32
    %c0_i32_1 = arith.constant 0 : i32
    return %c0_i32, %c0_i32_0 : i32, i32
  }
  func.func @transform_4(%arg0: i32) -> (i32, i32) {
    %c0_i32 = arith.constant 0 : i32
    %c0_i32_0 = arith.constant 0 : i32
    %c0_i32_1 = arith.constant 0 : i32
    return %c0_i32, %c0_i32_0 : i32, i32
  }
  func.func @transform_5(%arg0: i32) -> (i32, i32) {
    %c0_i32 = arith.constant 0 : i32
    %c0_i32_0 = arith.constant 0 : i32
    %c0_i32_1 = arith.constant 0 : i32
    return %c0_i32, %c0_i32_0 : i32, i32
  }
  func.func @transform_6(%arg0: i32) -> (i32, i32) {
    %c0_i32 = arith.constant 0 : i32
    %c0_i32_0 = arith.constant 0 : i32
    %c0_i32_1 = arith.constant 0 : i32
    return %c0_i32, %c0_i32_0 : i32, i32
  }
  func.func @transform_7(%arg0: i32) -> (i32, i32) {
    %c0_i32 = arith.constant 0 : i32
    %c0_i32_0 = arith.constant 0 : i32
    %c0_i32_1 = arith.constant 0 : i32
    return %c0_i32, %c0_i32_0 : i32, i32
  }
}

</mosaic_0001>

<sc_bundles>
// kernel: kernel.5.cloned.1.call-start
scs
__scs_entry_jumppad:
0x0: {  	(pc) =	sbr.rel $0x88, $3  }
0x1: {  	(tag) =	ssettag $0x0;
	lr =	simm.s32 $0x1  }
0x2: {  	[smem:$0x3F9D] =	sst lr;
	_ =	strace $0xD0000000  }
0x3: {  	_ = 	snop  }
0x4: {  	_ = 	snop  }
0x5: {  	_ = 	snop  }
0x6: {  	_ = 	snop  }
0x7: {  	_ = 	snop  }
__scs_overlays_trampoline_lowered:
0x8: {  	[smem:$0x3FAC] =	sst s0  }
0x9: {  	[smem:$0x3FAD] =	sst s1  }
0xa: {  	[smem:$0x3FAE] =	sst s2  }
0xb: {  	[smem:$0x3FAF] =	sst s3  }
0xc: {  	[smem:$0x3FB0] =	sst s4  }
0xd: {  	[smem:$0x3FB1] =	sst s5  }
0xe: {  	[smem:$0x3FB2] =	sst s6  }
0xf: {  	[smem:$0x3FB3] =	sst s7  }
0x10: {  	[smem:$0x3FB4] =	sst s8  }
0x11: {  	[smem:$0x3FB5] =	sst s9;
	s0 =	simm.s32 @!p0 $0x0  }
0x12: {  	s1 =	sld [smem:$0x3F9B];
	s0 =	simm.s32 @p0 $0x1  }
0x13: {  	[smem:$0x3FB6] =	sst s0;
	s0 =	simm.s32 @!p1 $0x0  }
0x14: {  	s2 =	sld [smem:$0x3F9A];
	s0 =	simm.s32 @p1 $0x1  }
0x15: {  	[smem:$0x3FB7] =	sst s0;
	s0 =	simm.s32 @!p2 $0x0  }
0x16: {  	s3 =	sld [smem:$0x3FDB];
	s0 =	simm.s32 @p2 $0x1  }
0x17: {  	s4 =	simm.s32 $0x1BF5;
	[smem:$0x3FB9] =	sst s0  }
0x18: {  	s0 =	sld [smem:$0x3F9C];
	_ =	swait.ge [sflag:s4], $0x0  }
0x19: {  	s7 =	sld [smem:$0x3F9D]  }
0x1a: {  	s8 =	sadd.s32 $0xFFFFE003, lr  }
0x1b: {  	s9 =	sadd.s32 $0xFFFFFEF7, lr;
	s5 =	simm.s32 $0xFFFFFFFF;
	p2 =	slt.u32 s8, $0xFFFFF086  }
0x1c: {  	p1 =	slt.u32 s9, $0xF7A;
	s5 =	simm.s32 @!p2 $0x0  }
0x1d: {  	s5 =	simm.s32 @p1 $0x1;
	p0 =	seq.s32 s7, s2  }
0x1e: {  	s7 =	smul.u32 @!p0 $0xF7A, s2;
	p2 =	seq.s32 @!p0 s5, $0x0  }
0x1f: {  	s9 =	smul.u32 $0xF7A, s1;
	s8 =	simm.s32 @!p0 $0x1BF5;
	p2 =	por !p2, p0  }
0x20: {  	[sflag:s8] =	ssyncset.s32 @!p0 $0xFFFFF086;
	s6 =	sadd.s32 @!p0 s3, s7;
	s7 =	simm.s32 @!p0 $0x108  }
0x21: {  	s3 =	sadd.s32 s3, s9;
	s6 =	sadd.s32 @!p0 $0x88, s6;
	s7 =	simm.s32 @p2 $0x1082  }
0x22: {  	[simem:s7], [sflag:s8] =	dma.local @!p0 [hbm:s6], $0xF7A  }
0x23: {  	s9 =	sor.u32 $0xD0000000, s2;
	s6 =	simm.s32 $0x108;
	_ =	swait.ge @!p0 [sflag:s8], $0x0  }
0x24: {  	s3 =	sadd.s32 $0x88, s3;
	s6 =	simm.s32 @!p1 $0x1082;
	[sflag:s4] =	ssyncset.s32 $0xFFFFF086  }
0x25: {  	[simem:s6], [sflag:s4] =	dma.local [hbm:s3], $0xF7A  }
0x26: {  	[smem:$0x3F9D] =	sst s1;
	(tag) =	ssettag s2;
	_ =	strace s9  }
0x27: {  	s1 =	sld [smem:$0x3FAD]  }
0x28: {  	s2 =	sld [smem:$0x3FAE]  }
0x29: {  	s4 =	sld [smem:$0x3FB0]  }
0x2a: {  	p0 =	seq.s32 s5, $0x0;
	s5 =	sld [smem:$0x3FB1]  }
0x2b: {  	s6 =	sld [smem:$0x3FB2]  }
0x2c: {  	s7 =	sld [smem:$0x3FB3]  }
0x2d: {  	s3 =	simm.s32 $0x108;
	s8 =	sld [smem:$0x3FB4]  }
0x2e: {  	s3 =	simm.s32 @!p0 $0x1082;
	s9 =	sld [smem:$0x3FB5]  }
0x2f: {  	lr =	sadd.s32 s0, s3;
	s0 =	sld [smem:$0x3FAC]  }
0x30: {  	s3 =	sld [smem:$0x3FAF]  }
0x31: {  	[smem:$0x3FB8] =	sst s10  }
0x32: {  	s10 =	sld [smem:$0x3FB6];
	_ =	sdelay $0x3  }
0x33: {  	p0 =	seq.s32 s10, $0x1;
	s10 =	sld [smem:$0x3FB8];
	_ =	sdelay $0x3  }
0x34: {  	[smem:$0x3FB8] =	sst s10  }
0x35: {  	s10 =	sld [smem:$0x3FB7];
	_ =	sdelay $0x3  }
0x36: {  	p1 =	seq.s32 s10, $0x1;
	s10 =	sld [smem:$0x3FB8];
	_ =	sdelay $0x3  }
0x37: {  	[smem:$0x3FB8] =	sst s10  }
0x38: {  	s10 =	sld [smem:$0x3FB9]  }
0x39: {  	_ = 	snop;
	(pc) =	sbr.ind lr, $3  }
0x3a: {  	_ = 	snop  }
0x3b: {  	_ = 	snop  }
0x3c: {  	p2 =	seq.s32 s10, $0x1;
	s10 =	sld [smem:$0x3FB8]  }
0x3d: {  	_ =	shalt  }
0x3e: {  	_ =	shalt  }
0x3f: {  	_ =	shalt  }
0x40: {  	_ =	shalt  }
0x41: {  	_ =	shalt  }
0x42: {  	_ =	shalt  }
0x43: {  	_ =	shalt  }
0x44: {  	_ =	shalt  }
0x45: {  	_ =	shalt  }
0x46: {  	_ =	shalt  }
0x47: {  	_ =	shalt  }
0x48: {  	_ =	shalt  }
0x49: {  	_ =	shalt  }
0x4a: {  	_ =	shalt  }
0x4b: {  	_ =	shalt  }
0x4c: {  	_ =	shalt  }
0x4d: {  	_ =	shalt  }
0x4e: {  	_ =	shalt  }
0x4f: {  	_ =	shalt  }
0x50: {  	_ =	shalt  }
0x51: {  	_ =	shalt  }
0x52: {  	_ =	shalt  }
0x53: {  	_ =	shalt  }
0x54: {  	_ =	shalt  }
0x55: {  	_ =	shalt  }
0x56: {  	_ =	shalt  }
0x57: {  	_ =	shalt  }
0x58: {  	_ =	shalt  }
0x59: {  	_ =	shalt  }
0x5a: {  	_ =	shalt  }
0x5b: {  	_ =	shalt  }
0x5c: {  	_ =	shalt  }
0x5d: {  	_ =	shalt  }
0x5e: {  	_ =	shalt  }
0x5f: {  	_ =	shalt  }
0x60: {  	_ =	shalt  }
0x61: {  	_ =	shalt  }
0x62: {  	_ =	shalt  }
0x63: {  	_ =	shalt  }
0x64: {  	_ =	shalt  }
0x65: {  	_ =	shalt  }
0x66: {  	_ =	shalt  }
0x67: {  	_ =	shalt  }
0x68: {  	_ =	shalt  }
0x69: {  	_ =	shalt  }
0x6a: {  	_ =	shalt  }
0x6b: {  	_ =	shalt  }
0x6c: {  	_ =	shalt  }
0x6d: {  	_ =	shalt  }
0x6e: {  	_ =	shalt  }
0x6f: {  	_ =	shalt  }
0x70: {  	_ =	shalt  }
0x71: {  	_ =	shalt  }
0x72: {  	_ =	shalt  }
0x73: {  	_ =	shalt  }
0x74: {  	_ =	shalt  }
0x75: {  	_ =	shalt  }
0x76: {  	_ =	shalt  }
0x77: {  	_ =	shalt  }
0x78: {  	_ =	shalt  }
0x79: {  	_ =	shalt  }
0x7a: {  	_ =	shalt  }
0x7b: {  	_ =	shalt  }
0x7c: {  	_ =	shalt  }
0x7d: {  	_ =	shalt  }
0x7e: {  	_ =	shalt  }
0x7f: {  	_ =	shalt  }
0x80: {  	_ =	shalt  }
0x81: {  	_ =	shalt  }
0x82: {  	_ =	shalt  }
0x83: {  	_ =	shalt  }
0x84: {  	_ =	shalt  }
0x85: {  	_ =	shalt  }
0x86: {  	_ =	shalt  }
0x87: {  	_ =	shalt  }
.Lfunc_end0:
.L_simem_size_0:
called_computation_lowered:
.L_overlay_start_0:
0x88: {  	s2 =	sld [smem:$0x3FD9]  }
0x89: {  	s3 =	sld [smem:$0x3FFE];
	_ =	sdelay $0x1  }
0x8a: {  	s1 =	srdreg.scid  }
0x8b: {  	s0 =	sand.u32 $0x1, s1  }
0x8c: {  	s16 =	sshll.u32 s0, $0xA;
	s2 =	sadd.s32 s3, s2  }
0x8d: {  	s2 =	sadd.s32 s2, s16  }
0x8e: {  	[smem:$0x3FC4] =	sst s2  }
0x8f: {  	_ = 	snop  }
0x90: {  	(tm) =	ssettm $0x1  }
0x91: {  	s17 =	sld [smem:$0x3FFB];
	_ =	sdelay $0x3  }
0x92: {  	_ =	strace s17  }
0x93: {  	s2 =	sld [smem:$0x3FFC];
	_ =	sdelay $0x3  }
0x94: {  	_ =	strace s2  }
0x95: {  	s2 =	sld [smem:$0x3FFD];
	_ =	sdelay $0x3  }
0x96: {  	_ =	strace s2  }
0x97: {  	_ =	strace $0x8FFFFFFF  }
0x98: {  	s18 =	sld [smem:$0x3FDB];
	_ =	sdelay $0x1  }
0x99: {  	s19 =	simm.s32 $_scs_section_size  }
0x9a: {  	s4 =	simm.s32 $_size__tile_overlayer_lowered;
	s5 =	simm.s32 $_tile_overlayer_lowered  }
0x9b: {  	s22 =	simm.s32 $0x1BFF;
	s21 =	sshll.u32 s5, $0x1;
	s2 =	sadd.s32 s19, s18  }
0x9c: {  	s6 =	simm.s32 $0x0;
	s20 =	sshll.u32 s4, $0x1;
	s4 =	sadd.s32 s21, s2  }
0x9d: {  	[timem:s6], [sflag:s22] =	dma.local [hbm:s4], s20  }
0x9e: {  	_ =	swait.ge [sflag:s22], s20  }
0x9f: {  	s3 =	ssub.s32 $0x0, s20;
	[sflag:s22] =	ssyncset.done $0x0  }
0xa0: {  	[sflag:s22] =	ssyncadd.s32 s3;
	_ =	sdelay $0x1  }
0xa1: {  	s23 =	simm.s32 $0x1B8B  }
0xa2: {  	_ =	swait.ge [sflag:s23], $0x1  }
0xa3: {  	[sflag:s23] =	ssyncset.done $0x0  }
0xa4: {  	s25 =	simm.s32 $0x1B8E;
	s24 =	sld [smem:$0x3FFE];
	[sflag:s23] =	ssyncadd.s32 $0xFFFFFFFF  }
0xa5: {  	s26 =	simm.s32 $execute0_lowered;
	[smem:$0x3FD2] =	sst s25  }
0xa6: {  	s4 =	sshll.u32 s26, $0x1;
	_ =	strace $0x80000046;
	[dreg:$0x1] =	wrdreg $0xFFFFFFFF  }
0xa7: {  	s28 =	simm.s32 $_size_execute0_lowered;
	s2 =	sadd.s32 s2, s4;
	[dreg:$0x0] =	wrdreg $0x0  }
0xa8: {  	s4 =	sshll.u32 s28, $0x1;
	[dreg:$0x2] =	wrdreg s2  }
0xa9: {  	[dreg:$0x3] =	wrdreg s4  }
0xaa: {  	[dreg:$0x4] =	wrdreg $0xC0  }
0xab: {  	_ =	task [dreg:s6], $0x5FFFF  }
0xac: {  	[dreg:$0x1] =	wrdreg $0xFFFFFFFF  }
0xad: {  	[dreg:$0x0] =	wrdreg $0x60  }
0xae: {  	[dreg:$0x2] =	wrdreg s24  }
0xaf: {  	[dreg:$0x3] =	wrdreg $0x9  }
0xb0: {  	_ =	task.clear_ibuf [dreg:s6], $0x4FFFF;
	_ =	strace $0x90000046  }
0xb1: {  	s29 =	simm.s32 $0x9;
	_ =	strace $0x80000048  }
0xb2: {  	_ =	swait.ge [sflag:s29], $0x1  }
0xb3: {  	[sflag:s29] =	ssyncadd.s32 $0xFFFFFFFF  }
0xb4: {  	_ =	strace $0x90000048  }
0xb5: {  	_ =	sfence  }
0xb6: {  	s30 =	sld [smem:$0x0];
	_ =	sdelay $0x2  }
0xb7: {  	s31 =	sshll.u32 s1, $0xD;
	s1 =	sshrl.u32 s1, $0x2  }
0xb8: {  	s3 =	sand.u32 $0x4000, s31;
	s1 =	sadd.s32 s1, s30  }
0xb9: {  	s0 =	sor.u32 s3, s0;
	s1 =	sshll.u32 s1, $0x11  }
0xba: {  	s0 =	sor.u32 s1, s0  }
0xbb: {  	s0 =	sadd.s32 $0x8F2B, s0  }
0xbc: {  	[sflag:s0] =	ssyncadd.remote.s32 $0x1  }
0xbd: {  	_ =	sfence.sel $0xFFFF  }
0xbe: {  	[dreg:$0x0] =	wrdreg $0xFFFFFFFF;
	(pc) =	sbr.abs _section_cstart, $3  }
0xbf: {  	[dreg:$0x1] =	wrdreg $0xFFFFFFFF  }
0xc0: {  	_ =	task.clear_ibuf [dreg:s6], $0x2FFFF;
	_ =	strace $0x9FFFFFFF  }
0xc1: {  	(tm) =	ssettm $0x7FFFFFFF  }
tec
execute0_lowered:
.L_overlay_start_1:
0x0: {  	(tag) =	ssettag $0x1  }
0x1: {  	s0 =	srdreg.scid  }
0x2: {  	s5 =	rddreg [dreg:$0x0];
	s2 =	simm.s32 $0x0;
	s13 =	simm.s32 $0x80  }
0x3: {  	s14 =	simm.s32 $0x400;
	s15 =	simm.s32 $0xAF80;
	s4 =	sand.u32 $0x1, s0  }
0x4: {  	s16 =	simm.s32 $0x0;
	s0 =	stileid.u32;
	s1 =	sshll.u32 s4, $0x4  }
0x5: {  	[smem:$0x7FF] =	sst s2;
	s9 =	sshll.u32 s0, $0x7;
	s12 =	sor.u32 s0, s1  }
0x6: {  	s29 =	ssub.s32 $0x2, s4;
	s4 =	simm.s32 $0x2C;
	s1 =	smul.u32 $0x1A, s12  }
0x7: {  	s9 =	sand.u32 $0x380, s9;
	s30 =	sshrl.u32 s29, $0x1;
	s8 =	sshrl.u32 s12, $0x3  }
0x8: {  	s31 =	sadd.s32 $0xFFFFFFEC, s12;
	s8 =	smul.u32 $0x3400, s8;
	s3 =	sshrl.u32 s1, $0x8  }
0x9: {  	p0 =	slt.u32 s31, $0xA;
	s1 =	rddreg [dreg:$0x1];
	s6 =	smul.u32 $0xA, s3  }
0xa: {  	_ =	strace $0x80000047;
	s4 =	simm.s32 @!p0 $0x2A;
	p0 =	slt.u32 s12, $0x1E  }
0xb: {  	s3 =	smin.u32 s3, $0x2;
	s8 =	sor.u32 s9, s8;
	s6 =	ssub.s32 s12, s6  }
0xc: {  	s3 =	smul.u32 $0x1500, s3;
	s8 =	sshrl.u32 s8, $0x3;
	s6 =	sand.u32 $0xFF, s6  }
0xd: {  	s9 =	ssub.s32 s29, s30;
	s8 =	sadd.s32 s8, s5;
	s7 =	sshll.u32 s6, $0xE  }
0xe: {  	s11 =	smul.u32 $0x321, s6;
	s7 =	sor.u32 s7, s3;
	s3 =	sshrl.u32 s3, $0x3  }
0xf: {  	s12 =	simm.s32 $0x4B80;
	s7 =	sshrl.u32 s7, $0x3;
	s10 =	sadd.s32 s3, s5  }
0x10: {  	v3 =	vimm.f32 $0.0e+00;
	s3 =	sadd.s32 $0x2C00, s5;
	v0 =	vmov s11;
	s11 =	simm.s32 $0x2C00;
	s7 =	sadd.s32 s7, s5  }
0x11: {  	v5 =	vlaneseq.u32;
	v4 =	vimm.s32 $0x0;
	v6 =	vimm.f32 $1.000000000e+00;
	s6 =	sadd.s32 $0x4C00, s10;
	s10 =	simm.s32 $0x1600;
	s5 =	sadd.s32 $0x5400, s7  }
0x12: {  	v5 =	vmul.u32 $0x640, v5;
	v1 =	vadd.s32 $0x320, v0;
	v2 =	vadd.s32 $0x1, v0;
	s7 =	sadd.s32 $0x3000, s8;
	s8 =	smax.u32 s9, $0x1;
	s9 =	simm.s32 $0x1  }
.LBB2_1:
0x13: {  	[tilespmem:s2], [sflag:$0x1] =	stream.linear.gather [hbm4b:s5+s2], $0x1600, $0x38;
	[tilespmem:$0xB600] =	vst v63  }
0x14: {  	_ =	swait.ge [sflag:s9], $0x1600  }
0x15: {  	[sflag:s9] =	ssyncset.done $0x0  }
0x16: {  	[sflag:s9] =	ssyncadd.s32 $0xFFFFEA00  }
0x17: {  	[tilespmem:s10], [sflag:$0x1] =	stream.linear.gather [hbm4b:s6+s2], $0x1600, $0x38;
	[tilespmem:$0xB600] =	vst v63  }
0x18: {  	_ =	swait.ge [sflag:s9], $0x1600  }
0x19: {  	[sflag:s9] =	ssyncset.done $0x0  }
0x1a: {  	[sflag:s9] =	ssyncadd.s32 $0xFFFFEA00  }
0x1b: {  	[tilespmem:s11], [sflag:$0x1] =	stream.linear.gather [hbm4b:s3+s2], $0x1F80, $0x38;
	[tilespmem:$0xB600] =	vst v63  }
0x1c: {  	_ =	swait.ge [sflag:s9], $0x1F80  }
0x1d: {  	[sflag:s9] =	ssyncset.done $0x0  }
0x1e: {  	[sflag:s9] =	ssyncadd.s32 $0xFFFFE080  }
0x1f: {  	v7 =	vld.idx.msk [tilespmem:v0+s11+$0x0], $0xffff  }
0x20: {  	s17 =	simm.s32 $0x0;
	s18 =	simm.s32 $0x400;
	v8 =	vld.idx.msk [tilespmem:v1+s11+$0x0], $0xffff  }
.LBB2_2:
0x21: {  	p1 =	seq.s32 s18, $0x18C00;
	[tilespmem:s17+$0x4C70] =	vst v3  }
0x22: {  	[tilespmem:s17+$0x4B80] =	vst v3  }
0x23: {  	[tilespmem:s17+$0x4B90] =	vst v3  }
0x24: {  	[tilespmem:s17+$0x4BA0] =	vst v3  }
0x25: {  	[tilespmem:s17+$0x4BB0] =	vst v3  }
0x26: {  	[tilespmem:s17+$0x4BC0] =	vst v3  }
0x27: {  	[tilespmem:s17+$0x4BD0] =	vst v3  }
0x28: {  	[tilespmem:s17+$0x4BE0] =	vst v3  }
0x29: {  	[tilespmem:s17+$0x4BF0] =	vst v3  }
0x2a: {  	[tilespmem:s17+$0x4C00] =	vst v3  }
0x2b: {  	[tilespmem:s17+$0x4C10] =	vst v3  }
.Ltmp0:
0x2c: {  	[tilespmem:s17+$0x4C20] =	vst v3;
	(pc) =	sbr.rel @!p1 .LBB2_2-.Ltmp0, $4  }
0x2d: {  	[tilespmem:s17+$0x4C30] =	vst v3  }
0x2e: {  	[tilespmem:s17+$0x4C40] =	vst v3  }
0x2f: {  	[tilespmem:s17+$0x4C50] =	vst v3  }
0x30: {  	[tilespmem:s17+$0x4C60] =	vst v3;
	s17 =	sshra.s32 s18, $0x2;
	s18 =	sadd.s32 $0x400, s18  }
0x31: {  	[tilespmem:s17+$0x4C70] =	vst v3  }
0x32: {  	[tilespmem:s17+$0x4B80] =	vst v3  }
0x33: {  	[tilespmem:s17+$0x4B90] =	vst v3  }
0x34: {  	[tilespmem:s17+$0x4BA0] =	vst v3  }
0x35: {  	[tilespmem:s17+$0x4BB0] =	vst v3;
	v8 =	vsub.f32 v8, v7  }
0x36: {  	[tilespmem:s17+$0x4BC0] =	vst v3  }
0x37: {  	[tilespmem:s17+$0x4BD0] =	vst v3;
	(erf) = vrcp.f32 v8  }
0x38: {  	[tilespmem:s17+$0x4BE0] =	vst v3  }
0x39: {  	[tilespmem:s17+$0x4BF0] =	vst v3  }
0x3a: {  	[tilespmem:s17+$0x4C00] =	vst v3  }
0x3b: {  	[tilespmem:s17+$0x4C10] =	vst v3  }
.Ltmp1:
0x3c: {  	[tilespmem:s17+$0x4C20] =	vst v3;
	(pc) =	sbr.rel @!p0 .LBB2_6-.Ltmp1, $4  }
0x3d: {  	[tilespmem:s17+$0x4C30] =	vst v3  }
0x3e: {  	[tilespmem:s17+$0x4C40] =	vst v3  }
0x3f: {  	[tilespmem:s17+$0x4C50] =	vst v3  }
0x40: {  	[tilespmem:s17+$0x4C60] =	vst v3;
	v8 =	vpop (erf)  }
0x41: {  	v8 =	vmul.f32 $8.000000000e+02, v8;
	s17 =	simm.s32 $0x40;
	s18 =	simm.s32 $0x1640;
	s19 =	smov.u32 s4  }
.LBB2_5:
0x42: {  	v9 =	vld [tilespmem:s17+$0xFFFFFFC0];
	_ =	sdelay $0x4  }
0x43: {  	v10 =	vsub.f32 v9, v7;
	_ =	sdelay $0x1  }
0x44: {  	v10 =	vmul.f32 v10, v8;
	_ =	sdelay $0x1  }
0x45: {  	v10 =	vtrunc.f32 v10  }
0x46: {  	v10 =	vcvt.f32.s32 v10;
	_ =	sdelay $0x1  }
0x47: {  	vm0 =	vgt.s32 v10, $0x0  }
0x48: {  	v10 =	vnsel vm0, $0x0, v10  }
0x49: {  	v10 =	vmin.u32 v10, $0x31F  }
0x4a: {  	v11 =	vadd.s32 v0, v10  }
0x4b: {  	v12 =	vadd.s32 v2, v10;
	_ =	sdelay $0x3  }
0x4c: {  	v11 =	vld.idx.msk [tilespmem:v11+s11+$0x0], $0xffff  }
0x4d: {  	v12 =	vld.idx.msk [tilespmem:v12+s11+$0x0], $0xffff;
	_ =	sdelay $0x1  }
0x4e: {  	v13 =	vld [tilespmem:s18+$0xFFFFFFC0];
	_ =	sdelay $0x2  }
0x4f: {  	vm10 =	vge.f32 v9, v12;
	vm1 =	vlt.f32 v9, v11  }
0x50: {  	v9 =	vsel vm10, $0x1, v4;
	v11 =	vsel vm1, $0xFFFFFFFF, v4  }
0x51: {  	v9 =	vadd.s32 v11, v9;
	v11 =	vtrunc.f32 v13  }
0x52: {  	v9 =	vadd.s32 v10, v9;
	v10 =	vcvt.f32.s32 v11  }
0x53: {  	vm11 =	vgt.s32 v9, $0x0  }
0x54: {  	v9 =	vnsel vm11, $0x0, v9;
	v10 =	vmul.u32 $0x320, v10  }
0x55: {  	v9 =	vmin.u32 v9, $0x31F  }
0x56: {  	v9 =	vadd.s32 v9, v10  }
0x57: {  	v9 =	vadd.s32 v5, v9;
	_ =	sdelay $0x4  }
0x58: {  	[tilespmem:v9+s12+$0x0] =	vst.idx.add.f32.msk $0xffff, v6  }
0x59: {  	v9 =	vld [tilespmem:s17+$0xFFFFFFD0];
	_ =	sdelay $0x4  }
0x5a: {  	v10 =	vsub.f32 v9, v7;
	_ =	sdelay $0x1  }
0x5b: {  	v10 =	vmul.f32 v10, v8;
	_ =	sdelay $0x1  }
0x5c: {  	v10 =	vtrunc.f32 v10  }
0x5d: {  	v10 =	vcvt.f32.s32 v10;
	_ =	sdelay $0x1  }
0x5e: {  	vm12 =	vgt.s32 v10, $0x0  }
0x5f: {  	v10 =	vnsel vm12, $0x0, v10  }
0x60: {  	v10 =	vmin.u32 v10, $0x31F  }
0x61: {  	v11 =	vadd.s32 v0, v10  }
0x62: {  	v50 =	vadd.s32 v2, v10;
	_ =	sdelay $0x3  }
0x63: {  	v11 =	vld.idx.msk [tilespmem:v11+s11+$0x0], $0xffff  }
0x64: {  	v12 =	vld.idx.msk [tilespmem:v50+s11+$0x0], $0xffff;
	_ =	sdelay $0x1  }
0x65: {  	v51 =	vld [tilespmem:s18+$0xFFFFFFD0];
	_ =	sdelay $0x2  }
0x66: {  	vm13 =	vge.f32 v9, v12;
	vm14 =	vlt.f32 v9, v11  }
0x67: {  	v9 =	vsel vm13, $0x1, v4;
	v11 =	vsel vm14, $0xFFFFFFFF, v4  }
0x68: {  	v9 =	vadd.s32 v11, v9;
	v11 =	vtrunc.f32 v51  }
0x69: {  	v9 =	vadd.s32 v10, v9;
	v10 =	vcvt.f32.s32 v11  }
0x6a: {  	vm15 =	vgt.s32 v9, $0x0  }
0x6b: {  	v9 =	vnsel vm15, $0x0, v9;
	v10 =	vmul.u32 $0x320, v10  }
0x6c: {  	v9 =	vmin.u32 v9, $0x31F  }
0x6d: {  	v9 =	vadd.s32 v9, v10  }
0x6e: {  	v9 =	vadd.s32 v5, v9;
	_ =	sdelay $0x4  }
0x6f: {  	[tilespmem:v9+s12+$0x0] =	vst.idx.add.f32.msk $0xffff, v6  }
0x70: {  	v9 =	vld [tilespmem:s17+$0xFFFFFFE0];
	_ =	sdelay $0x4  }
0x71: {  	v10 =	vsub.f32 v9, v7;
	_ =	sdelay $0x1  }
0x72: {  	v10 =	vmul.f32 v10, v8;
	_ =	sdelay $0x1  }
0x73: {  	v10 =	vtrunc.f32 v10  }
0x74: {  	v10 =	vcvt.f32.s32 v10;
	_ =	sdelay $0x1  }
0x75: {  	vm4 =	vgt.s32 v10, $0x0  }
0x76: {  	v10 =	vnsel vm4, $0x0, v10  }
0x77: {  	v10 =	vmin.u32 v10, $0x31F  }
0x78: {  	v11 =	vadd.s32 v0, v10  }
0x79: {  	v52 =	vadd.s32 v2, v10;
	_ =	sdelay $0x3  }
0x7a: {  	v11 =	vld.idx.msk [tilespmem:v11+s11+$0x0], $0xffff  }
0x7b: {  	v12 =	vld.idx.msk [tilespmem:v52+s11+$0x0], $0xffff;
	_ =	sdelay $0x1  }
0x7c: {  	v53 =	vld [tilespmem:s18+$0xFFFFFFE0];
	_ =	sdelay $0x2  }
0x7d: {  	vm5 =	vge.f32 v9, v12;
	vm6 =	vlt.f32 v9, v11  }
0x7e: {  	v9 =	vsel vm5, $0x1, v4;
	v11 =	vsel vm6, $0xFFFFFFFF, v4  }
0x7f: {  	v9 =	vadd.s32 v11, v9;
	v11 =	vtrunc.f32 v53  }
0x80: {  	v9 =	vadd.s32 v10, v9;
	v10 =	vcvt.f32.s32 v11  }
0x81: {  	vm7 =	vgt.s32 v9, $0x0  }
0x82: {  	v9 =	vnsel vm7, $0x0, v9;
	v10 =	vmul.u32 $0x320, v10  }
0x83: {  	v9 =	vmin.u32 v9, $0x31F  }
0x84: {  	v9 =	vadd.s32 v9, v10  }
0x85: {  	v9 =	vadd.s32 v5, v9;
	_ =	sdelay $0x4  }
0x86: {  	[tilespmem:v9+s12+$0x0] =	vst.idx.add.f32.msk $0xffff, v6  }
0x87: {  	v9 =	vld [tilespmem:s17+$0xFFFFFFF0];
	_ =	sdelay $0x4  }
0x88: {  	v10 =	vsub.f32 v9, v7;
	_ =	sdelay $0x1  }
0x89: {  	v10 =	vmul.f32 v10, v8;
	_ =	sdelay $0x1  }
0x8a: {  	v10 =	vtrunc.f32 v10  }
0x8b: {  	v10 =	vcvt.f32.s32 v10;
	_ =	sdelay $0x1  }
0x8c: {  	vm8 =	vgt.s32 v10, $0x0  }
0x8d: {  	v10 =	vnsel vm8, $0x0, v10  }
0x8e: {  	v10 =	vmin.u32 v10, $0x31F  }
0x8f: {  	v11 =	vadd.s32 v0, v10  }
0x90: {  	v54 =	vadd.s32 v2, v10;
	_ =	sdelay $0x3  }
0x91: {  	v11 =	vld.idx.msk [tilespmem:v11+s11+$0x0], $0xffff  }
0x92: {  	v12 =	vld.idx.msk [tilespmem:v54+s11+$0x0], $0xffff;
	_ =	sdelay $0x1  }
0x93: {  	v55 =	vld [tilespmem:s18+$0xFFFFFFF0];
	_ =	sdelay $0x2  }
0x94: {  	vm9 =	vge.f32 v9, v12;
	vm10 =	vlt.f32 v9, v11  }
0x95: {  	v9 =	vsel vm9, $0x1, v4;
	v11 =	vsel vm10, $0xFFFFFFFF, v4  }
0x96: {  	v9 =	vadd.s32 v11, v9;
	v11 =	vtrunc.f32 v55  }
0x97: {  	v9 =	vadd.s32 v10, v9;
	v10 =	vcvt.f32.s32 v11  }
0x98: {  	vm11 =	vgt.s32 v9, $0x0  }
0x99: {  	v9 =	vnsel vm11, $0x0, v9;
	v10 =	vmul.u32 $0x320, v10  }
0x9a: {  	v9 =	vmin.u32 v9, $0x31F  }
0x9b: {  	v9 =	vadd.s32 v9, v10  }
0x9c: {  	v9 =	vadd.s32 v5, v9;
	_ =	sdelay $0x4  }
0x9d: {  	[tilespmem:v9+s12+$0x0] =	vst.idx.add.f32.msk $0xffff, v6  }
0x9e: {  	v9 =	vld [tilespmem:s17+$0x0];
	_ =	sdelay $0x4  }
0x9f: {  	v10 =	vsub.f32 v9, v7;
	_ =	sdelay $0x1  }
0xa0: {  	v10 =	vmul.f32 v10, v8;
	_ =	sdelay $0x1  }
0xa1: {  	v10 =	vtrunc.f32 v10  }
0xa2: {  	v10 =	vcvt.f32.s32 v10;
	_ =	sdelay $0x1  }
0xa3: {  	vm12 =	vgt.s32 v10, $0x0  }
0xa4: {  	v10 =	vnsel vm12, $0x0, v10  }
0xa5: {  	v10 =	vmin.u32 v10, $0x31F  }
0xa6: {  	v11 =	vadd.s32 v0, v10  }
0xa7: {  	v56 =	vadd.s32 v2, v10;
	_ =	sdelay $0x3  }
0xa8: {  	v11 =	vld.idx.msk [tilespmem:v11+s11+$0x0], $0xffff  }
0xa9: {  	v12 =	vld.idx.msk [tilespmem:v56+s11+$0x0], $0xffff;
	_ =	sdelay $0x1  }
0xaa: {  	v57 =	vld [tilespmem:s18+$0x0];
	_ =	sdelay $0x2  }
0xab: {  	vm13 =	vge.f32 v9, v12;
	vm14 =	vlt.f32 v9, v11  }
0xac: {  	v9 =	vsel vm13, $0x1, v4;
	v11 =	vsel vm14, $0xFFFFFFFF, v4  }
0xad: {  	v9 =	vadd.s32 v11, v9;
	v11 =	vtrunc.f32 v57  }
0xae: {  	v9 =	vadd.s32 v10, v9;
	v10 =	vcvt.f32.s32 v11  }
0xaf: {  	vm15 =	vgt.s32 v9, $0x0  }
0xb0: {  	v9 =	vnsel vm15, $0x0, v9;
	v10 =	vmul.u32 $0x320, v10  }
0xb1: {  	v9 =	vmin.u32 v9, $0x31F  }
0xb2: {  	v9 =	vadd.s32 v9, v10  }
0xb3: {  	v9 =	vadd.s32 v5, v9;
	_ =	sdelay $0x4  }
0xb4: {  	[tilespmem:v9+s12+$0x0] =	vst.idx.add.f32.msk $0xffff, v6  }
0xb5: {  	v9 =	vld [tilespmem:s17+$0x10];
	_ =	sdelay $0x4  }
0xb6: {  	v10 =	vsub.f32 v9, v7;
	_ =	sdelay $0x1  }
0xb7: {  	v10 =	vmul.f32 v10, v8;
	_ =	sdelay $0x1  }
0xb8: {  	v10 =	vtrunc.f32 v10  }
0xb9: {  	v10 =	vcvt.f32.s32 v10;
	_ =	sdelay $0x1  }
0xba: {  	vm4 =	vgt.s32 v10, $0x0  }
0xbb: {  	v10 =	vnsel vm4, $0x0, v10  }
0xbc: {  	v10 =	vmin.u32 v10, $0x31F  }
0xbd: {  	v11 =	vadd.s32 v0, v10  }
0xbe: {  	v58 =	vadd.s32 v2, v10;
	_ =	sdelay $0x3  }
0xbf: {  	v11 =	vld.idx.msk [tilespmem:v11+s11+$0x0], $0xffff  }
0xc0: {  	v12 =	vld.idx.msk [tilespmem:v58+s11+$0x0], $0xffff;
	_ =	sdelay $0x1  }
0xc1: {  	v59 =	vld [tilespmem:s18+$0x10];
	_ =	sdelay $0x2  }
0xc2: {  	vm5 =	vge.f32 v9, v12;
	vm6 =	vlt.f32 v9, v11  }
0xc3: {  	v9 =	vsel vm5, $0x1, v4;
	v11 =	vsel vm6, $0xFFFFFFFF, v4  }
0xc4: {  	v9 =	vadd.s32 v11, v9;
	v11 =	vtrunc.f32 v59  }
0xc5: {  	v9 =	vadd.s32 v10, v9;
	v10 =	vcvt.f32.s32 v11  }
0xc6: {  	vm7 =	vgt.s32 v9, $0x0  }
0xc7: {  	v9 =	vnsel vm7, $0x0, v9;
	v10 =	vmul.u32 $0x320, v10  }
0xc8: {  	v9 =	vmin.u32 v9, $0x31F  }
0xc9: {  	v9 =	vadd.s32 v9, v10  }
0xca: {  	v9 =	vadd.s32 v5, v9;
	_ =	sdelay $0x4  }
0xcb: {  	[tilespmem:v9+s12+$0x0] =	vst.idx.add.f32.msk $0xffff, v6  }
0xcc: {  	v9 =	vld [tilespmem:s17+$0x20];
	_ =	sdelay $0x4  }
0xcd: {  	v10 =	vsub.f32 v9, v7;
	_ =	sdelay $0x1  }
0xce: {  	v10 =	vmul.f32 v10, v8;
	_ =	sdelay $0x1  }
0xcf: {  	v10 =	vtrunc.f32 v10  }
0xd0: {  	v10 =	vcvt.f32.s32 v10;
	_ =	sdelay $0x1  }
0xd1: {  	vm8 =	vgt.s32 v10, $0x0  }
0xd2: {  	v10 =	vnsel vm8, $0x0, v10  }
0xd3: {  	v10 =	vmin.u32 v10, $0x31F  }
0xd4: {  	v11 =	vadd.s32 v0, v10  }
0xd5: {  	v60 =	vadd.s32 v2, v10;
	_ =	sdelay $0x3  }
0xd6: {  	v11 =	vld.idx.msk [tilespmem:v11+s11+$0x0], $0xffff  }
0xd7: {  	v12 =	vld.idx.msk [tilespmem:v60+s11+$0x0], $0xffff;
	_ =	sdelay $0x1  }
0xd8: {  	v61 =	vld [tilespmem:s18+$0x20];
	_ =	sdelay $0x2  }
0xd9: {  	vm9 =	vge.f32 v9, v12;
	vm10 =	vlt.f32 v9, v11  }
0xda: {  	v9 =	vsel vm9, $0x1, v4;
	v11 =	vsel vm10, $0xFFFFFFFF, v4  }
0xdb: {  	v9 =	vadd.s32 v11, v9;
	v11 =	vtrunc.f32 v61  }
0xdc: {  	v9 =	vadd.s32 v10, v9;
	v10 =	vcvt.f32.s32 v11  }
0xdd: {  	vm11 =	vgt.s32 v9, $0x0  }
0xde: {  	v9 =	vnsel vm11, $0x0, v9;
	v10 =	vmul.u32 $0x320, v10  }
0xdf: {  	v9 =	vmin.u32 v9, $0x31F  }
0xe0: {  	v9 =	vadd.s32 v9, v10  }
0xe1: {  	v9 =	vadd.s32 v5, v9;
	_ =	sdelay $0x4  }
0xe2: {  	[tilespmem:v9+s12+$0x0] =	vst.idx.add.f32.msk $0xffff, v6  }
0xe3: {  	v9 =	vld [tilespmem:s17+$0x30];
	_ =	sdelay $0x4  }
0xe4: {  	v10 =	vsub.f32 v9, v7;
	_ =	sdelay $0x1  }
0xe5: {  	v10 =	vmul.f32 v10, v8;
	_ =	sdelay $0x1  }
0xe6: {  	v10 =	vtrunc.f32 v10  }
0xe7: {  	v10 =	vcvt.f32.s32 v10;
	_ =	sdelay $0x1  }
0xe8: {  	vm12 =	vgt.s32 v10, $0x0  }
0xe9: {  	v10 =	vnsel vm12, $0x0, v10  }
0xea: {  	v10 =	vmin.u32 v10, $0x31F  }
0xeb: {  	v11 =	vadd.s32 v0, v10  }
0xec: {  	v62 =	vadd.s32 v2, v10;
	_ =	sdelay $0x3  }
0xed: {  	v11 =	vld.idx.msk [tilespmem:v11+s11+$0x0], $0xffff  }
0xee: {  	v12 =	vld.idx.msk [tilespmem:v62+s11+$0x0], $0xffff;
	_ =	sdelay $0x1  }
0xef: {  	v63 =	vld [tilespmem:s18+$0x30];
	_ =	sdelay $0x2  }
0xf0: {  	vm13 =	vge.f32 v9, v12;
	vm14 =	vlt.f32 v9, v11  }
0xf1: {  	v9 =	vsel vm13, $0x1, v4;
	v11 =	vsel vm14, $0xFFFFFFFF, v4  }
0xf2: {  	v9 =	vadd.s32 v11, v9;
	v11 =	vtrunc.f32 v63  }
0xf3: {  	v9 =	vadd.s32 v10, v9;
	v10 =	vcvt.f32.s32 v11  }
0xf4: {  	vm15 =	vgt.s32 v9, $0x0  }
0xf5: {  	v9 =	vnsel vm15, $0x0, v9;
	v10 =	vmul.u32 $0x320, v10  }
0xf6: {  	v9 =	vmin.u32 v9, $0x31F  }
0xf7: {  	v9 =	vadd.s32 v9, v10  }
0xf8: {  	p1 =	sne.s32 s19, $0x1;
	v9 =	vadd.s32 v5, v9  }
.Ltmp2:
0xf9: {  	_ = 	snop;
	(pc) =	sbr.rel @p1 .LBB2_5-.Ltmp2, $2  }
0xfa: {  	_ =	sdelay $0x2  }
0xfb: {  	s19 =	sadd.s32 $0xFFFFFFFF, s19;
	s17 =	sadd.s32 $0x80, s17;
	s18 =	sadd.s32 $0x80, s18;
	[tilespmem:v9+s12+$0x0] =	vst.idx.add.f32.msk $0xffff, v6  }
.LBB2_6:
0xfc: {  	s17 =	simm.s32 $0x0  }
0xfd: {  	v7 =	vld [tilespmem:s17+$0x51D0]  }
0xfe: {  	v8 =	vld [tilespmem:s17+$0x4B90]  }
0xff: {  	v9 =	vld [tilespmem:s17+$0x51C0]  }
0x100: {  	v10 =	vld [tilespmem:s17+$0x5810]  }
0x101: {  	v11 =	vld [tilespmem:s17+$0x4B80]  }
0x102: {  	v12 =	vld [tilespmem:s17+$0x5E50]  }
0x103: {  	s18 =	simm.s32 $0x0;
	v13 =	vld [tilespmem:s17+$0x5E40];
	v7 =	vadd.f32 v7, v8  }
0x104: {  	s19 =	sand.u32 $0x7E0, s18;
	v8 =	vld [tilespmem:s17+$0x6490]  }
0x105: {  	v14 =	vld [tilespmem:s19+$0x5800];
	v7 =	vadd.f32 v10, v7  }
0x106: {  	v10 =	vld [tilespmem:s17+$0x6AD0]  }
0x107: {  	v15 =	vld [tilespmem:s17+$0x7110];
	v7 =	vadd.f32 v12, v7  }
0x108: {  	v16 =	vld [tilespmem:s17+$0x9CD0];
	v9 =	vadd.f32 v9, v11  }
0x109: {  	v12 =	vld [tilespmem:s19+$0x6480];
	v7 =	vadd.f32 v8, v7  }
0x10a: {  	v11 =	vld [tilespmem:s17+$0x7750];
	v9 =	vadd.f32 v14, v9  }
0x10b: {  	v14 =	vld [tilespmem:s17+$0x6AC0];
	v7 =	vadd.f32 v10, v7  }
0x10c: {  	v9 =	vadd.f32 v13, v9;
	v10 =	vld [tilespmem:s17+$0x7D90]  }
0x10d: {  	v8 =	vld [tilespmem:s19+$0x7100];
	v7 =	vadd.f32 v15, v7  }
0x10e: {  	v9 =	vadd.f32 v12, v9;
	v15 =	vld [tilespmem:s17+$0x83D0]  }
0x10f: {  	v12 =	vld [tilespmem:s17+$0x7740];
	v7 =	vadd.f32 v11, v7  }
0x110: {  	v9 =	vadd.f32 v14, v9;
	v11 =	vld [tilespmem:s17+$0x8A10]  }
0x111: {  	v14 =	vld [tilespmem:s19+$0x7D80];
	v7 =	vadd.f32 v10, v7  }
0x112: {  	v9 =	vadd.f32 v8, v9;
	v10 =	vld [tilespmem:s17+$0x9050]  }
0x113: {  	v13 =	vld [tilespmem:s17+$0x83C0];
	v7 =	vadd.f32 v15, v7  }
0x114: {  	v9 =	vadd.f32 v12, v9;
	v15 =	vld [tilespmem:s17+$0x9690]  }
0x115: {  	v12 =	vld [tilespmem:s19+$0x8A00];
	v7 =	vadd.f32 v11, v7  }
0x116: {  	v8 =	vld [tilespmem:s17+$0x9040];
	v11 =	vadd.f32 v14, v9  }
0x117: {  	v9 =	vld [tilespmem:s17+$0xA310];
	v7 =	vadd.f32 v10, v7  }
0x118: {  	v10 =	vld [tilespmem:s19+$0x9680];
	v13 =	vadd.f32 v13, v11  }
0x119: {  	v11 =	vld [tilespmem:s17+$0xA950];
	v15 =	vadd.f32 v15, v7  }
0x11a: {  	v7 =	vld [tilespmem:s17+$0xA940];
	v14 =	vadd.f32 v12, v13  }
0x11b: {  	s20 =	simm.s32 $0x80;
	v12 =	vld [tilespmem:s17+$0x9CC0];
	v13 =	vadd.f32 v16, v15  }
.LBB2_7:
0x11c: {  	s21 =	sshra.s32 s20, $0x2;
	p1 =	sne.s32 s20, $0x1880;
	s20 =	sadd.s32 $0x80, s20;
	v8 =	vadd.f32 v8, v14;
	v14 =	vld [tilespmem:s19+$0xA300]  }
0x11d: {  	v15 =	vld [tilespmem:s21+$0x51D0];
	v9 =	vadd.f32 v9, v13  }
0x11e: {  	v13 =	vld [tilespmem:s21+$0x51C0];
	v8 =	vadd.f32 v10, v8  }
0x11f: {  	s18 =	sadd.s32 $0x20, s18;
	v10 =	vld [tilespmem:s21+$0x4B90];
	v9 =	vadd.f32 v11, v9  }
0x120: {  	v11 =	vld [tilespmem:s21+$0x4B80];
	v8 =	vadd.f32 v12, v8  }
0x121: {  	v12 =	vld [tilespmem:s21+$0x5E40];
	[tilespmem:s17+$0xAF90] =	vst v9  }
0x122: {  	v9 =	vld [tilespmem:s21+$0x5810];
	v8 =	vadd.f32 v14, v8;
	_ =	sdelay $0x1  }
0x123: {  	v14 =	vld [tilespmem:s21+$0x5E50];
	v7 =	vadd.f32 v7, v8  }
0x124: {  	v10 =	vadd.f32 v15, v10;
	v8 =	vadd.f32 v13, v11  }
0x125: {  	s19 =	sand.u32 $0x7E0, s18;
	v11 =	vld [tilespmem:s21+$0x6490];
	[tilespmem:s17+$0xAF80] =	vst v7;
	s17 =	smov.u32 s21  }
0x126: {  	v7 =	vld [tilespmem:s19+$0x5800];
	v9 =	vadd.f32 v9, v10  }
0x127: {  	v10 =	vld [tilespmem:s17+$0x6AD0]  }
0x128: {  	v9 =	vadd.f32 v14, v9;
	v13 =	vld [tilespmem:s19+$0x6480]  }
0x129: {  	v14 =	vld [tilespmem:s17+$0x7110]  }
0x12a: {  	v9 =	vadd.f32 v11, v9;
	v11 =	vld [tilespmem:s19+$0x7100]  }
0x12b: {  	v7 =	vadd.f32 v7, v8;
	v8 =	vld [tilespmem:s17+$0x7750]  }
0x12c: {  	v15 =	vld [tilespmem:s17+$0x6AC0];
	v9 =	vadd.f32 v10, v9  }
0x12d: {  	v7 =	vadd.f32 v12, v7;
	v10 =	vld [tilespmem:s17+$0x7D90]  }
0x12e: {  	v9 =	vadd.f32 v14, v9;
	v12 =	vld [tilespmem:s17+$0x83C0]  }
0x12f: {  	v7 =	vadd.f32 v13, v7;
	v13 =	vld [tilespmem:s17+$0x83D0]  }
0x130: {  	v14 =	vld [tilespmem:s17+$0x7740];
	v8 =	vadd.f32 v8, v9  }
0x131: {  	v7 =	vadd.f32 v15, v7;
	v9 =	vld [tilespmem:s17+$0x8A10]  }
0x132: {  	v15 =	vld [tilespmem:s19+$0x7D80];
	v8 =	vadd.f32 v10, v8  }
0x133: {  	v7 =	vadd.f32 v11, v7;
	v10 =	vld [tilespmem:s17+$0x9050]  }
0x134: {  	v11 =	vadd.f32 v13, v8;
	v8 =	vld [tilespmem:s17+$0x9040]  }
0x135: {  	v7 =	vadd.f32 v14, v7;
	v13 =	vld [tilespmem:s17+$0x9690]  }
0x136: {  	v14 =	vld [tilespmem:s19+$0x8A00];
	v9 =	vadd.f32 v9, v11  }
0x137: {  	v7 =	vadd.f32 v15, v7;
	v15 =	vld [tilespmem:s17+$0x9CD0]  }
.Ltmp3:
0x138: {  	v11 =	vadd.f32 v10, v9;
	v9 =	vld [tilespmem:s17+$0xA310];
	(pc) =	sbr.rel @p1 .LBB2_7-.Ltmp3, $4  }
0x139: {  	v12 =	vadd.f32 v12, v7;
	v10 =	vld [tilespmem:s19+$0x9680]  }
0x13a: {  	v13 =	vadd.f32 v13, v11;
	v7 =	vld [tilespmem:s17+$0xA940]  }
0x13b: {  	v14 =	vadd.f32 v14, v12;
	v11 =	vld [tilespmem:s17+$0xA950]  }
0x13c: {  	v12 =	vld [tilespmem:s17+$0x9CC0];
	v13 =	vadd.f32 v15, v13  }
0x13d: {  	v8 =	vadd.f32 v8, v14  }
0x13e: {  	v63 =	vld [tilespmem:s19+$0xA300]  }
0x13f: {  	v8 =	vadd.f32 v10, v8;
	_ =	sdelay $0x1  }
0x140: {  	v8 =	vadd.f32 v12, v8  }
0x141: {  	v9 =	vadd.f32 v9, v13  }
0x142: {  	v8 =	vadd.f32 v63, v8  }
0x143: {  	v9 =	vadd.f32 v11, v9  }
0x144: {  	s16 =	sadd.s32 $0x1, s16;
	v7 =	vadd.f32 v7, v8  }
0x145: {  	p1 =	sne.s32 s16, s8;
	[tilespmem:s17+$0xAF90] =	vst v9  }
.Ltmp4:
0x146: {  	[tilespmem:s17+$0xAF80] =	vst v7;
	(pc) =	sbr.rel @p1 .LBB2_1-.Ltmp4, $4  }
0x147: {  	[hbm4b:s7+s13] =	stream.strided.scatter [tilespmem:s15], [sflag:$0x1], $0x680, s14, s13, $0x38;
	[tilespmem:$0xB600] =	vst v63  }
0x148: {  	_ =	swait.ge [sflag:s9], $0x680  }
0x149: {  	[sflag:s9] =	ssyncset.done $0x0  }
0x14a: {  	[sflag:s9] =	ssyncadd.s32 $0xFFFFF980  }
0x14b: {  	_ =	sfence.sel $0x180000  }
0x14c: {  	[bflag:$0x0] =	sbarrier.arrive $0xFFFF  }
0x14d: {  	p0 =	sne.s32 s0, $0x0;
	_ =	strace $0x90000047  }
0x14e: {  	s0 =	sadd.s32 @!p0 $0x100000, s1;
	[bflag:$0x2] =	sbarrier.arrive $0xFFFF  }
0x14f: {  	[sflag:s0] =	ssyncadd.tile.s32 @!p0 $0x1;
	_ =	shalt  }
.Lfunc_end2:
_tile_overlayer_lowered:
.L_overlay_start_2:
0x150: {  	(tag) =	ssettag $0x2  }
0x151: {  	s0 =	rddreg [dreg:$0x0];
	s2 =	stileid.u32  }
0x152: {  	s1 =	rddreg [dreg:$0x1];
	p0 =	sne.s32 s2, $0x0  }
0x153: {  	s3 =	rddreg [dreg:$0x2];
	[bflag:$0x3] =	sbarrier.arrive $0xFFFF;
	s2 =	simm.s32 @!p0 $0x1C01  }
0x154: {  	[timem:s3], [sflag:s2] =	dma.local @!p0 [hbm:s0], s1  }
0x155: {  	s0 =	simm.s32 @!p0 $0x1  }
0x156: {  	_ =	swait.ge @!p0 [sflag:s0], s1  }
0x157: {  	s1 =	ssub.s32 @!p0 $0x0, s1;
	[sflag:s0] =	ssyncset.done @!p0 $0x0  }
0x158: {  	[sflag:s0] =	ssyncadd.s32 @!p0 s1  }
0x159: {  	[bflag:$0x3] =	sbarrier.arrive $0xFFFF  }
0x15a: {  	_ =	shalt  }

</sc_bundles>
